<compile_context>
chip_gen: v7x
topology: tpu7x:2x2x1
jax: 0.10.2.dev20260603
libtpu: 0.0.44.dev20260713+nightly
codegen_flags: <defaults>
</compile_context>

<pallas_src>
import functools

import jax
import jax.numpy as jnp
from jax import lax
from jax.experimental import pallas as pl
from jax.experimental.pallas import tpu as pltpu
from jax.experimental.pallas import tpu_sc as plsc

N_NODES = 10000
NPAD = 10240
NDAG = 100
NWRK = 50
CH = 80
NCH = 125
NTILES = 32
EPT = NCH * CH
BLK = 2000
GRID = N_NODES // BLK
RPT = NPAD // 16
RPS = N_NODES // 16


@functools.cache
def _sc_kernels():
    mesh = plsc.VectorSubcoreMesh(core_axis_name="c", subcore_axis_name="s")

    @functools.partial(
        pl.kernel,
        out_type=jax.ShapeDtypeStruct((2, NPAD), jnp.float32),
        mesh=mesh,
        scratch_types=[
            pltpu.VMEM((EPT,), jnp.int32),
            pltpu.VMEM((EPT,), jnp.float32),
            pltpu.VMEM_SHARED((NPAD,), jnp.float32),
            pltpu.SemaphoreType.DMA,
        ],
    )
    def sc_degree(col_hbm, zeros_hbm, ones_hbm, out_hbm, idx_v, ones_v,
                  deg_sh, sem):
        c = lax.axis_index("c")
        s = lax.axis_index("s")
        wid = c * 16 + s
        pltpu.async_copy(col_hbm.at[pl.ds(wid * EPT, EPT)], idx_v, sem)
        pltpu.async_copy(ones_hbm, ones_v, sem)
        pltpu.sync_copy(zeros_hbm, deg_sh.at[pl.ds(s * RPT, RPT)])
        pltpu.make_async_copy(col_hbm.at[pl.ds(wid * EPT, EPT)], idx_v,
                              sem).wait()
        pltpu.make_async_copy(ones_hbm, ones_v, sem).wait()
        plsc.subcore_barrier()
        pltpu.sync_copy(ones_v, deg_sh.at[idx_v], add=True)
        plsc.subcore_barrier()
        pltpu.sync_copy(deg_sh.at[pl.ds(s * RPT, RPT)],
                        out_hbm.at[c, pl.ds(s * RPT, RPT)])

    @functools.partial(
        pl.kernel,
        out_type=jax.ShapeDtypeStruct((2, N_NODES, 8), jnp.float32),
        mesh=mesh,
        scratch_types=[
            pltpu.VMEM((EPT,), jnp.int32),
            pltpu.VMEM((EPT,), jnp.int32),
            pltpu.VMEM((EPT, 8), jnp.float32),
            pltpu.VMEM_SHARED((N_NODES, 8), jnp.float32),
            pltpu.SemaphoreType.DMA,
        ],
        compiler_params=pltpu.CompilerParams(use_tc_tiling_on_sc=False),
    )
    def sc_gather_scatter(col_hbm, row_hbm, g_hbm, zeros_hbm, out_hbm,
                          col_v, row_v, rows_v, acc_sh, sem):
        c = lax.axis_index("c")
        s = lax.axis_index("s")
        wid = c * 16 + s
        pltpu.async_copy(col_hbm.at[pl.ds(wid * EPT, EPT)], col_v, sem)
        pltpu.async_copy(row_hbm.at[pl.ds(wid * EPT, EPT)], row_v, sem)
        pltpu.sync_copy(zeros_hbm, acc_sh.at[pl.ds(s * RPS, RPS)])
        pltpu.make_async_copy(col_hbm.at[pl.ds(wid * EPT, EPT)], col_v,
                              sem).wait()
        pltpu.make_async_copy(row_hbm.at[pl.ds(wid * EPT, EPT)], row_v,
                              sem).wait()
        pltpu.async_copy(g_hbm.at[col_v], rows_v, sem).wait()
        plsc.subcore_barrier()
        pltpu.sync_copy(rows_v, acc_sh.at[row_v], add=True)
        plsc.subcore_barrier()
        pltpu.sync_copy(acc_sh.at[pl.ds(s * RPS, RPS)],
                        out_hbm.at[c, pl.ds(s * RPS, RPS)])

    return sc_degree, sc_gather_scatter


def _sc_degree(col1, zeros1, ones2):
    return _sc_kernels()[0](col1, zeros1, ones2)


def _sc_gather_scatter(col1, row1, g, zeros8):
    return _sc_kernels()[1](col1, row1, g, zeros8)


def _dot(a, b):
    return jax.lax.dot_general(a, b, (((a.ndim - 1,), (0,)), ((), ())))


def _dot_hp(a, b):
    return jax.lax.dot_general(a, b, (((a.ndim - 1,), (0,)), ((), ())),
                               precision=jax.lax.Precision.HIGHEST)


def _b16(v):
    return v.astype(jnp.bfloat16).astype(jnp.float32)


def _dot_oh(onehot, x):
    dims = (((1,), (0,)), ((), ()))
    oh = onehot.astype(jnp.bfloat16)
    x1 = x.astype(jnp.bfloat16)
    r1 = x - x1.astype(jnp.float32)
    x2 = r1.astype(jnp.bfloat16)
    x3 = (r1 - x2.astype(jnp.float32)).astype(jnp.bfloat16)
    f32 = jnp.float32
    return ((jax.lax.dot_general(oh, x3, dims, preferred_element_type=f32)
             + jax.lax.dot_general(oh, x2, dims, preferred_element_type=f32))
            + jax.lax.dot_general(oh, x1, dims, preferred_element_type=f32))


def _k1_body(x_ref, b3_ref, dp_ref, wa, ba, wb, bb, wc, bc,
             g_ref, dis_ref, yx_ref):
    i = pl.program_id(0)
    xb = x_ref[...]
    a = jnp.maximum(_dot(xb, wa[...].T) + ba[...], 0.0)
    a = jnp.maximum(_dot(a, wb[...].T) + bb[...], 0.0)
    h = _dot(a, wc[...].T) + bc[...]
    deg = dp_ref[0] + dp_ref[1] + 1.0
    dis = 1.0 / jnp.sqrt(deg)
    dis_ref[...] = dis
    g_ref[...] = dis * h
    onehot = (lax.broadcasted_iota(jnp.int32, (NDAG, BLK), 0)
              == b3_ref[0]).astype(jnp.float32)

    @pl.when(i == 0)
    def _():
        yx_ref[...] = jnp.zeros_like(yx_ref)

    yx_ref[...] += _dot_oh(onehot, xb)


def _k345_body(sp_ref, g_ref, dis_ref, b3_ref, yx_ref,
               wa, ba, wb, bb, wc, bc,
               wd1x, wd1n, bd1, wd2, bd2, wd3, bd3,
               wg1, bg1, wg2, bg2, wg3, bg3,
               wpl, wpy, wpz, bp1, wp2, bp2, wp3, bp3,
               wax, way, waz, boa, wob, bob, woc, boc,
               ops_ref, pr_ref, xn_s, yn_s):
    p = pl.program_id(0)
    i = pl.program_id(1)
    onehot = (lax.broadcasted_iota(jnp.int32, (NDAG, BLK), 0)
              == b3_ref[0]).astype(jnp.float32)

    @pl.when(p == 0)
    def _phase0():
        aggr = dis_ref[...] * (sp_ref[0] + sp_ref[1] + g_ref[...])
        a = jnp.maximum(_dot(aggr, wa[...].T) + ba[...], 0.0)
        a2 = jnp.maximum(_dot(a, wb[...].T) + bb[...], 0.0)
        xn = _dot(a2, wc[...].T) + bc[...]
        xn_s[pl.ds(i * BLK, BLK), :] = xn

        @pl.when(i == 0)
        def _():
            yn_s[...] = jnp.zeros_like(yn_s)

        yn_s[...] += _dot_hp(onehot, xn)

    @pl.when(p == 1)
    def _phase1():
        y1 = jnp.maximum(_dot(yx_ref[...], wd1x[...].T)
                         + _dot(yn_s[...], wd1n[...].T) + bd1[...], 0.0)
        y2 = jnp.maximum(_dot(y1, wd2[...].T) + bd2[...], 0.0)
        y = _dot(y2, wd3[...].T) + bd3[...]
        z0 = jnp.sum(y, axis=0, keepdims=True)
        z1 = jnp.maximum(_dot(z0, wg1[...].T) + bg1[...], 0.0)
        z2 = jnp.maximum(_dot(z1, wg2[...].T) + bg2[...], 0.0)
        z = _dot(z2, wg3[...].T) + bg3[...]

        @pl.when(i == 0)
        def _():
            t_y = _dot(y, wpy[...].T)
            t_z = _dot(z, wpz[...].T) + bp1[...]
            lim = (lax.broadcasted_iota(jnp.int32, (NWRK, 32), 0) + 1
                   ).astype(jnp.float32)
            t_l = lim * wpl[...]
            l1 = jnp.maximum(t_y[:, None, :] + t_l[None, :, :]
                             + t_z[None], 0.0)
            l2 = jnp.maximum(
                lax.dot_general(l1, wp2[...], (((2,), (1,)), ((), ())))
                + bp2[...], 0.0)
            pr = jnp.sum(_b16(l2) * _b16(wp3[...])[None], axis=2)
            pr_ref[...] = pr + bp3[...]

        yb = lax.dot_general(onehot, y, (((0,), (0,)), ((), ())),
                             precision=jax.lax.Precision.HIGHEST)
        xn = xn_s[pl.ds(i * BLK, BLK), :]
        l1o = jnp.maximum(
            _dot(xn, wax[...].T) + _dot(yb, way[...].T)
            + _dot(z, waz[...].T) + boa[...], 0.0)
        l2o = jnp.maximum(_dot(l1o, wob[...].T) + bob[...], 0.0)
        ops_ref[...] = (jnp.sum(_b16(l2o) * _b16(woc[...]), axis=1,
                                keepdims=True) + boc[...])


def _full(shape):
    return pl.BlockSpec(shape, lambda *_: tuple(0 for _ in shape))


def kernel(x, edge_index, batch, num_ops_per_dag, op_msk, prlvl_msk, params):
    f32 = jnp.float32
    (w1a, b1a), (w1b, b1b), (w1c, b1c) = params['mlp1']
    (w2a, b2a), (w2b, b2b), (w2c, b2c) = params['mlp2']
    (wda, bda), (wdb, bdb), (wdc, bdc) = params['mlp_dag']
    (wga, bga), (wgb, bgb), (wgc, bgc) = params['mlp_global']
    (woa, boa), (wob, bob), (woc, boc) = params['mlp_op_score']
    (wpa, bpa), (wpb, bpb), (wpc, bpc) = params['mlp_prlvl_score']
    r2 = lambda b: b.reshape(1, -1)

    b3 = batch.reshape(GRID, 1, BLK)
    row1 = edge_index[0]
    col1 = edge_index[1]
    zeros1 = jnp.zeros((RPT,), f32)
    zeros8 = jnp.zeros((RPS, 8), f32)
    ones2 = jnp.ones((EPT,), f32)

    deg_parts = _sc_degree(col1, zeros1, ones2)
    dp = deg_parts.reshape(2, NPAD, 1)

    g, dis, y_x = pl.pallas_call(
        _k1_body,
        grid=(GRID,),
        in_specs=[
            pl.BlockSpec((BLK, 128), lambda i: (i, 0)),
            pl.BlockSpec((1, 1, BLK), lambda i: (i, 0, 0)),
            pl.BlockSpec((2, BLK, 1), lambda i: (0, i, 0)),
            _full((32, 128)), _full((1, 32)),
            _full((16, 32)), _full((1, 16)),
            _full((8, 16)), _full((1, 8)),
        ],
        out_specs=[
            pl.BlockSpec((BLK, 8), lambda i: (i, 0)),
            pl.BlockSpec((BLK, 1), lambda i: (i, 0)),
            _full((NDAG, 128)),
        ],
        out_shape=[
            jax.ShapeDtypeStruct((N_NODES, 8), f32),
            jax.ShapeDtypeStruct((N_NODES, 1), f32),
            jax.ShapeDtypeStruct((NDAG, 128), f32),
        ],
    )(x, b3, dp, w1a, r2(b1a), w1b, r2(b1b), w1c, r2(b1c))

    s_parts = _sc_gather_scatter(col1, row1, g, zeros8)

    ops, prlvl = pl.pallas_call(
        _k345_body,
        grid=(2, GRID),
        in_specs=[
            pl.BlockSpec((2, BLK, 8), lambda p, i: (0, i, 0)),
            pl.BlockSpec((BLK, 8), lambda p, i: (i, 0)),
            pl.BlockSpec((BLK, 1), lambda p, i: (i, 0)),
            pl.BlockSpec((1, 1, BLK), lambda p, i: (i, 0, 0)),
            _full((NDAG, 128)),
            _full((32, 8)), _full((1, 32)),
            _full((16, 32)), _full((1, 16)),
            _full((16, 16)), _full((1, 16)),
            _full((32, 128)), _full((32, 16)), _full((1, 32)),
            _full((16, 32)), _full((1, 16)),
            _full((16, 16)), _full((1, 16)),
            _full((32, 16)), _full((1, 32)),
            _full((16, 32)), _full((1, 16)),
            _full((16, 16)), _full((1, 16)),
            _full((1, 32)), _full((32, 16)), _full((32, 16)), _full((1, 32)),
            _full((16, 32)), _full((1, 16)),
            _full((1, 16)), _full((1, 1)),
            _full((32, 16)), _full((32, 16)), _full((32, 16)), _full((1, 32)),
            _full((16, 32)), _full((1, 16)),
            _full((1, 16)), _full((1, 1)),
        ],
        out_specs=[
            pl.BlockSpec((BLK, 1), lambda p, i: (p * i + (1 - p) * GRID, 0)),
            _full((NDAG, NWRK)),
        ],
        out_shape=[
            jax.ShapeDtypeStruct((N_NODES + BLK, 1), f32),
            jax.ShapeDtypeStruct((NDAG, NWRK), f32),
        ],
        scratch_shapes=[
            pltpu.VMEM((N_NODES, 16), f32),
            pltpu.VMEM((NDAG, 16), f32),
        ],
    )(s_parts, g, dis, b3, y_x,
      w2a, r2(b2a), w2b, r2(b2b), w2c, r2(b2c),
      wda[:, :128], wda[:, 128:], r2(bda),
      wdb, r2(bdb), wdc, r2(bdc),
      wga, r2(bga), wgb, r2(bgb), wgc, r2(bgc),
      wpa[:, 0:1].T, wpa[:, 1:17], wpa[:, 17:33], r2(bpa),
      wpb, r2(bpb), wpc, bpc.reshape(1, 1),
      woa[:, 0:16], woa[:, 16:32], woa[:, 32:48], r2(boa),
      wob, r2(bob), woc, boc.reshape(1, 1))

    return ops[:N_NODES, 0], prlvl

# --- scband reference (transcript-rebuilt; emitter-appended) ---
"""Pipeline reference for scband-actor-network-61289183314524 (READ-ONLY COPY).

The authoritative reference and input builder live on the scoring server;
editing this copy changes nothing except your own understanding.
"""

import jax, jax.numpy as jnp
import numpy as np

N_NODES = 10000
N_EDGES = 320000
NUM_DAGS = 100
NUM_WORKERS = 50
IN_CH = 128
DIM_EMBED = 16


def _make_mlp_params(key, in_ch, out_ch, h1=32, h2=16):
    ks = jax.random.split(key, 3)
    dims = [(in_ch, h1), (h1, h2), (h2, out_ch)]
    params = []
    for k, (di, do) in zip(ks, dims):
        W = jax.random.normal(k, (do, di), dtype=jnp.float32) * (1.0 / np.sqrt(di))
        b = jnp.zeros((do,), dtype=jnp.float32)
        params.append((W, b))
    return params


def _mlp(params, x):
    n = len(params)
    for i, (W, b) in enumerate(params):
        x = x @ W.T + b
        if i < n - 1:
            x = jax.nn.relu(x)
    return x


def setup_inputs(seed: int = 0):
    key = jax.random.key(seed)
    k = jax.random.split(key, 12)
    x = jax.random.normal(k[0], (N_NODES, IN_CH), dtype=jnp.float32)
    edge_index = jax.random.randint(k[1], (2, N_EDGES), 0, N_NODES, dtype=jnp.int32)
    batch = jnp.sort(jax.random.randint(k[2], (N_NODES,), 0, NUM_DAGS, dtype=jnp.int32))
    num_ops_per_dag = jnp.bincount(batch, length=NUM_DAGS)
    op_msk = jnp.ones((N_NODES,), dtype=bool)
    prlvl_msk = jnp.ones((NUM_DAGS, NUM_WORKERS), dtype=bool)
    params = {
        'mlp1': _make_mlp_params(k[3], IN_CH, 8),
        'mlp2': _make_mlp_params(k[4], 8, DIM_EMBED),
        'mlp_dag': _make_mlp_params(k[5], IN_CH + DIM_EMBED, DIM_EMBED),
        'mlp_global': _make_mlp_params(k[6], DIM_EMBED, DIM_EMBED),
        'mlp_op_score': _make_mlp_params(k[7], 3 * DIM_EMBED, 1),
        'mlp_prlvl_score': _make_mlp_params(k[8], 2 * DIM_EMBED + 1, 1),
    }
    return {
        'x': x,
        'edge_index': edge_index,
        'batch': batch,
        'num_ops_per_dag': num_ops_per_dag,
        'op_msk': op_msk,
        'prlvl_msk': prlvl_msk,
        'params': params,
    }


def reference(x, edge_index, batch, num_ops_per_dag, op_msk, prlvl_msk, params):
    N = x.shape[0]
    loops = jnp.arange(N, dtype=edge_index.dtype)
    ei = jnp.concatenate([edge_index, jnp.stack([loops, loops])], axis=1)
    # GCNConv (flow='target_to_source', aggr='add')
    h = _mlp(params['mlp1'], x)
    row, col = ei[0], ei[1]
    deg = jax.ops.segment_sum(jnp.ones(ei.shape[1], dtype=x.dtype), col, num_segments=N)
    deg_inv_sqrt = jnp.where(deg > 0, 1.0 / jnp.sqrt(jnp.maximum(deg, 1e-12)), 0.0)
    norm = deg_inv_sqrt[row] * deg_inv_sqrt[col]
    msgs = norm[:, None] * h[col]          # x_j = x[col] under target_to_source flow
    aggr = jax.ops.segment_sum(msgs, row, num_segments=N)  # aggregate at row
    x_node = _mlp(params['mlp2'], aggr)
    # DAG-level embeddings
    x_comb = jnp.concatenate([x, x_node], axis=1)
    y = jax.ops.segment_sum(x_comb, batch, num_segments=NUM_DAGS)
    y = _mlp(params['mlp_dag'], y)
    # Global embedding
    z = jnp.sum(y, axis=0)
    z = _mlp(params['mlp_global'], z)
    # Op scores
    y_ops = jnp.repeat(y, num_ops_per_dag, axis=0, total_repeat_length=N)
    z_ops = jnp.tile(z[None, :], (N, 1))
    ops = _mlp(params['mlp_op_score'], jnp.concatenate([x_node, y_ops, z_ops], axis=1)).squeeze(-1)
    # Parallelism-level scores
    limits = jnp.tile(jnp.arange(1, NUM_WORKERS + 1, dtype=x.dtype), (NUM_DAGS,))[:, None]
    y_pr = jnp.repeat(y, NUM_WORKERS, axis=0)
    z_pr = jnp.tile(z[None, :], (NUM_DAGS * NUM_WORKERS, 1))
    pr = jnp.concatenate([limits, y_pr, z_pr], axis=1).reshape(NUM_DAGS, NUM_WORKERS, -1)
    prlvl = _mlp(params['mlp_prlvl_score'], pr).squeeze(-1)
    return ops, prlvl

if __name__ == "__main__":
    import jax
    _d = setup_inputs()
    print(jax.jit(kernel)(*tuple(_d.values())))

</pallas_src>

<mosaic_0001>
#map = affine_map<(d0, d1) -> (0)>
#map1 = affine_map<(d0, d1) -> (0, 0)>
module attributes {stable_mosaic.version = 14 : i64} {
  func.func @sc_degree(%arg0: i32, %arg1: i32, %arg2: memref<320000xi32, #tpu.memory_space<hbm>>, %arg3: memref<640xf32, #tpu.memory_space<hbm>>, %arg4: memref<10000xf32, #tpu.memory_space<hbm>>, %arg5: memref<2x10240xf32, #tpu.memory_space<hbm>>, %arg6: memref<10000xi32, #tpu.memory_space<vmem>>, %arg7: memref<10000xf32, #tpu.memory_space<vmem>>, %arg8: memref<10240xf32, #tpu.memory_space<vmem_shared>>, %arg9: memref<!tpu.dma_semaphore, #tpu.memory_space<semaphore_mem>>) attributes {dimension_semantics = [#tpu.dimension_semantics<core_parallel>, #tpu.dimension_semantics<subcore_parallel>], iteration_bounds = array<i64: 2, 16>, scalar_prefetch = 0 : i64, scratch_operands = 4 : i64, tpu.core_type = #tpu.core_type<sc_vector_subcore>, window_params = [{transform_indices = #map}, {transform_indices = #map}, {transform_indices = #map}, {transform_indices = #map1}]} {
    %mul3A = arith.constant 16 : i32
    %mul3A_0 = arith.muli %arg0, %mul3A : i32
    %add3A = arith.addi %mul3A_0, %arg1 : i32
    %mul3A_1 = arith.constant 10000 : i32
    %mul3A_2 = arith.muli %add3A, %mul3A_1 : i32
    %dma_start3A = tpu.memref_slice %arg2[%mul3A_2] : memref<320000xi32, #tpu.memory_space<hbm>> -> memref<10000xi32, #tpu.memory_space<hbm>>
    %dma_start3A_3 = tpu.memref_slice %arg2[%mul3A_2] : memref<320000xi32, #tpu.memory_space<hbm>> -> memref<10000xi32, #tpu.memory_space<hbm>>
    tpu.enqueue_dma source(%dma_start3A_3 : memref<10000xi32, #tpu.memory_space<hbm>>) target(%arg6 : memref<10000xi32, #tpu.memory_space<vmem>>) target_semaphore(%arg9 : memref<!tpu.dma_semaphore, #tpu.memory_space<semaphore_mem>>)
    tpu.enqueue_dma source(%arg4 : memref<10000xf32, #tpu.memory_space<hbm>>) target(%arg7 : memref<10000xf32, #tpu.memory_space<vmem>>) target_semaphore(%arg9 : memref<!tpu.dma_semaphore, #tpu.memory_space<semaphore_mem>>)
    %mul3A_4 = arith.constant 640 : i32
    %mul3A_5 = arith.muli %arg1, %mul3A_4 : i32
    "tpu.region"() ({
      %run_scoped3A = tpu.sem_alloc : memref<!tpu.dma_semaphore, #tpu.memory_space<semaphore_mem>>
      %dma_start3A_14 = tpu.memref_slice %arg8[%mul3A_5] : memref<10240xf32, #tpu.memory_space<vmem_shared>> -> memref<640xf32, #tpu.memory_space<vmem_shared>>
      tpu.enqueue_dma source(%arg3 : memref<640xf32, #tpu.memory_space<hbm>>) target(%dma_start3A_14 : memref<640xf32, #tpu.memory_space<vmem_shared>>) target_semaphore(%run_scoped3A : memref<!tpu.dma_semaphore, #tpu.memory_space<semaphore_mem>>)
      %dma_wait3A_15 = tpu.memref_slice %arg8[%mul3A_5] : memref<10240xf32, #tpu.memory_space<vmem_shared>> -> memref<640xf32, #tpu.memory_space<vmem_shared>>
      tpu.wait_dma2 semaphore(%run_scoped3A : memref<!tpu.dma_semaphore, #tpu.memory_space<semaphore_mem>>) src(%arg3 : memref<640xf32, #tpu.memory_space<hbm>>) dst(%dma_wait3A_15 : memref<640xf32, #tpu.memory_space<vmem_shared>>)
      tpu.yield
    }) : () -> ()
    %mul3A_6 = arith.constant 10000 : i32
    %mul3A_7 = arith.muli %add3A, %mul3A_6 : i32
    %dma_wait3A = tpu.memref_slice %arg2[%mul3A_7] : memref<320000xi32, #tpu.memory_space<hbm>> -> memref<10000xi32, #tpu.memory_space<hbm>>
    %dma_wait3A_8 = tpu.memref_slice %arg2[%mul3A_7] : memref<320000xi32, #tpu.memory_space<hbm>> -> memref<10000xi32, #tpu.memory_space<hbm>>
    tpu.wait_dma2 semaphore(%arg9 : memref<!tpu.dma_semaphore, #tpu.memory_space<semaphore_mem>>) src(%dma_wait3A_8 : memref<10000xi32, #tpu.memory_space<hbm>>) dst(%arg6 : memref<10000xi32, #tpu.memory_space<vmem>>)
    tpu.wait_dma2 semaphore(%arg9 : memref<!tpu.dma_semaphore, #tpu.memory_space<semaphore_mem>>) src(%arg4 : memref<10000xf32, #tpu.memory_space<hbm>>) dst(%arg7 : memref<10000xf32, #tpu.memory_space<vmem>>)
    %barrier3A = arith.constant 0 : index
    tpu.barrier barrier_id(%barrier3A)
    "tpu.region"() ({
      %run_scoped3A = tpu.sem_alloc : memref<!tpu.dma_semaphore, #tpu.memory_space<semaphore_mem>>
      %dma_start3A_14 = arith.constant 0 : i32
      %dma_start3A_15 = tpu.memref_slice %arg8[%dma_start3A_14] : memref<10240xf32, #tpu.memory_space<vmem_shared>> -> memref<10240xf32, #tpu.memory_space<vmem_shared>>
      tpu.enqueue_indirect_dma source(%arg7 : memref<10000xf32, #tpu.memory_space<vmem>>) target(%dma_start3A_15 : memref<10240xf32, #tpu.memory_space<vmem_shared>>) offsets(%arg6 : memref<10000xi32, #tpu.memory_space<vmem>>) semaphore(%run_scoped3A : memref<!tpu.dma_semaphore, #tpu.memory_space<semaphore_mem>>) {add = true}
      %dma_wait3A_16 = arith.constant 0 : i32
      %dma_wait3A_17 = tpu.memref_slice %arg8[%dma_wait3A_16] : memref<10240xf32, #tpu.memory_space<vmem_shared>> -> memref<10240xf32, #tpu.memory_space<vmem_shared>>
      tpu.wait_indirect_dma semaphore(%run_scoped3A : memref<!tpu.dma_semaphore, #tpu.memory_space<semaphore_mem>>) src(%arg7 : memref<10000xf32, #tpu.memory_space<vmem>>) dst(%dma_wait3A_17 : memref<10240xf32, #tpu.memory_space<vmem_shared>>)
      tpu.yield
    }) : () -> ()
    %barrier3A_9 = arith.constant 0 : index
    tpu.barrier barrier_id(%barrier3A_9)
    %mul3A_10 = arith.constant 640 : i32
    %mul3A_11 = arith.muli %arg1, %mul3A_10 : i32
    %mul3A_12 = arith.constant 640 : i32
    %mul3A_13 = arith.muli %arg1, %mul3A_12 : i32
    "tpu.region"() ({
      %run_scoped3A = tpu.sem_alloc : memref<!tpu.dma_semaphore, #tpu.memory_space<semaphore_mem>>
      %dma_start3A_14 = tpu.memref_slice %arg5[%arg0, %mul3A_13] : memref<2x10240xf32, #tpu.memory_space<hbm>> -> memref<1x640xf32, #tpu.memory_space<hbm>>
      %dma_start3A_15 = tpu.memref_squeeze %dma_start3A_14 : memref<1x640xf32, #tpu.memory_space<hbm>> -> memref<640xf32, #tpu.memory_space<hbm>>
      %dma_start3A_16 = tpu.memref_slice %arg8[%mul3A_11] : memref<10240xf32, #tpu.memory_space<vmem_shared>> -> memref<640xf32, #tpu.memory_space<vmem_shared>>
      tpu.enqueue_dma source(%dma_start3A_16 : memref<640xf32, #tpu.memory_space<vmem_shared>>) target(%dma_start3A_15 : memref<640xf32, #tpu.memory_space<hbm>>) target_semaphore(%run_scoped3A : memref<!tpu.dma_semaphore, #tpu.memory_space<semaphore_mem>>)
      %dma_wait3A_17 = tpu.memref_slice %arg5[%arg0, %mul3A_13] : memref<2x10240xf32, #tpu.memory_space<hbm>> -> memref<1x640xf32, #tpu.memory_space<hbm>>
      %dma_wait3A_18 = tpu.memref_squeeze %dma_wait3A_17 : memref<1x640xf32, #tpu.memory_space<hbm>> -> memref<640xf32, #tpu.memory_space<hbm>>
      %dma_wait3A_19 = tpu.memref_slice %arg8[%mul3A_11] : memref<10240xf32, #tpu.memory_space<vmem_shared>> -> memref<640xf32, #tpu.memory_space<vmem_shared>>
      tpu.wait_dma2 semaphore(%run_scoped3A : memref<!tpu.dma_semaphore, #tpu.memory_space<semaphore_mem>>) src(%dma_wait3A_19 : memref<640xf32, #tpu.memory_space<vmem_shared>>) dst(%dma_wait3A_18 : memref<640xf32, #tpu.memory_space<hbm>>)
      tpu.yield
    }) : () -> ()
    return
  }
}

#map = affine_map<(d0, d1) -> (0)>
#map1 = affine_map<(d0, d1) -> (0, 0)>
#map2 = affine_map<(d0, d1) -> (0, 0, 0)>
module attributes {stable_mosaic.version = 14 : i64} {
  func.func @sc_gather_scatter(%arg0: i32, %arg1: i32, %arg2: memref<320000xi32, #tpu.memory_space<hbm>>, %arg3: memref<320000xi32, #tpu.memory_space<hbm>>, %arg4: memref<10000x8xf32, #tpu.memory_space<hbm>>, %arg5: memref<625x8xf32, #tpu.memory_space<hbm>>, %arg6: memref<2x10000x8xf32, #tpu.memory_space<hbm>>, %arg7: memref<10000xi32, #tpu.memory_space<vmem>>, %arg8: memref<10000xi32, #tpu.memory_space<vmem>>, %arg9: memref<10000x8xf32, #tpu.memory_space<vmem>>, %arg10: memref<10000x8xf32, #tpu.memory_space<vmem_shared>>, %arg11: memref<!tpu.dma_semaphore, #tpu.memory_space<semaphore_mem>>) attributes {dimension_semantics = [#tpu.dimension_semantics<core_parallel>, #tpu.dimension_semantics<subcore_parallel>], iteration_bounds = array<i64: 2, 16>, scalar_prefetch = 0 : i64, scratch_operands = 5 : i64, tpu.core_type = #tpu.core_type<sc_vector_subcore>, window_params = [{transform_indices = #map}, {transform_indices = #map}, {transform_indices = #map1}, {transform_indices = #map1}, {transform_indices = #map2}]} {
    %mul3A = arith.constant 16 : i32
    %mul3A_0 = arith.muli %arg0, %mul3A : i32
    %add3A = arith.addi %mul3A_0, %arg1 : i32
    %mul3A_1 = arith.constant 10000 : i32
    %mul3A_2 = arith.muli %add3A, %mul3A_1 : i32
    %dma_start3A = tpu.memref_slice %arg2[%mul3A_2] : memref<320000xi32, #tpu.memory_space<hbm>> -> memref<10000xi32, #tpu.memory_space<hbm>>
    %dma_start3A_3 = tpu.memref_slice %arg2[%mul3A_2] : memref<320000xi32, #tpu.memory_space<hbm>> -> memref<10000xi32, #tpu.memory_space<hbm>>
    tpu.enqueue_dma source(%dma_start3A_3 : memref<10000xi32, #tpu.memory_space<hbm>>) target(%arg7 : memref<10000xi32, #tpu.memory_space<vmem>>) target_semaphore(%arg11 : memref<!tpu.dma_semaphore, #tpu.memory_space<semaphore_mem>>)
    %mul3A_4 = arith.constant 10000 : i32
    %mul3A_5 = arith.muli %add3A, %mul3A_4 : i32
    %dma_start3A_6 = tpu.memref_slice %arg3[%mul3A_5] : memref<320000xi32, #tpu.memory_space<hbm>> -> memref<10000xi32, #tpu.memory_space<hbm>>
    %dma_start3A_7 = tpu.memref_slice %arg3[%mul3A_5] : memref<320000xi32, #tpu.memory_space<hbm>> -> memref<10000xi32, #tpu.memory_space<hbm>>
    tpu.enqueue_dma source(%dma_start3A_7 : memref<10000xi32, #tpu.memory_space<hbm>>) target(%arg8 : memref<10000xi32, #tpu.memory_space<vmem>>) target_semaphore(%arg11 : memref<!tpu.dma_semaphore, #tpu.memory_space<semaphore_mem>>)
    %mul3A_8 = arith.constant 625 : i32
    %mul3A_9 = arith.muli %arg1, %mul3A_8 : i32
    "tpu.region"() ({
      %run_scoped3A = tpu.sem_alloc : memref<!tpu.dma_semaphore, #tpu.memory_space<semaphore_mem>>
      %dma_start3A_28 = arith.constant 0 : i32
      %dma_start3A_29 = tpu.memref_slice %arg10[%mul3A_9, %dma_start3A_28] : memref<10000x8xf32, #tpu.memory_space<vmem_shared>> -> memref<625x8xf32, #tpu.memory_space<vmem_shared>>
      tpu.enqueue_dma source(%arg5 : memref<625x8xf32, #tpu.memory_space<hbm>>) target(%dma_start3A_29 : memref<625x8xf32, #tpu.memory_space<vmem_shared>>) target_semaphore(%run_scoped3A : memref<!tpu.dma_semaphore, #tpu.memory_space<semaphore_mem>>)
      %dma_wait3A_30 = arith.constant 0 : i32
      %dma_wait3A_31 = tpu.memref_slice %arg10[%mul3A_9, %dma_wait3A_30] : memref<10000x8xf32, #tpu.memory_space<vmem_shared>> -> memref<625x8xf32, #tpu.memory_space<vmem_shared>>
      tpu.wait_dma2 semaphore(%run_scoped3A : memref<!tpu.dma_semaphore, #tpu.memory_space<semaphore_mem>>) src(%arg5 : memref<625x8xf32, #tpu.memory_space<hbm>>) dst(%dma_wait3A_31 : memref<625x8xf32, #tpu.memory_space<vmem_shared>>)
      tpu.yield
    }) : () -> ()
    %mul3A_10 = arith.constant 10000 : i32
    %mul3A_11 = arith.muli %add3A, %mul3A_10 : i32
    %dma_wait3A = tpu.memref_slice %arg2[%mul3A_11] : memref<320000xi32, #tpu.memory_space<hbm>> -> memref<10000xi32, #tpu.memory_space<hbm>>
    %dma_wait3A_12 = tpu.memref_slice %arg2[%mul3A_11] : memref<320000xi32, #tpu.memory_space<hbm>> -> memref<10000xi32, #tpu.memory_space<hbm>>
    tpu.wait_dma2 semaphore(%arg11 : memref<!tpu.dma_semaphore, #tpu.memory_space<semaphore_mem>>) src(%dma_wait3A_12 : memref<10000xi32, #tpu.memory_space<hbm>>) dst(%arg7 : memref<10000xi32, #tpu.memory_space<vmem>>)
    %mul3A_13 = arith.constant 10000 : i32
    %mul3A_14 = arith.muli %add3A, %mul3A_13 : i32
    %dma_wait3A_15 = tpu.memref_slice %arg3[%mul3A_14] : memref<320000xi32, #tpu.memory_space<hbm>> -> memref<10000xi32, #tpu.memory_space<hbm>>
    %dma_wait3A_16 = tpu.memref_slice %arg3[%mul3A_14] : memref<320000xi32, #tpu.memory_space<hbm>> -> memref<10000xi32, #tpu.memory_space<hbm>>
    tpu.wait_dma2 semaphore(%arg11 : memref<!tpu.dma_semaphore, #tpu.memory_space<semaphore_mem>>) src(%dma_wait3A_16 : memref<10000xi32, #tpu.memory_space<hbm>>) dst(%arg8 : memref<10000xi32, #tpu.memory_space<vmem>>)
    %dma_start3A_17 = arith.constant 0 : i32
    %dma_start3A_18 = arith.constant 0 : i32
    %dma_start3A_19 = tpu.memref_slice %arg4[%dma_start3A_17, %dma_start3A_18] : memref<10000x8xf32, #tpu.memory_space<hbm>> -> memref<10000x8xf32, #tpu.memory_space<hbm>>
    tpu.enqueue_indirect_dma source(%dma_start3A_19 : memref<10000x8xf32, #tpu.memory_space<hbm>>) target(%arg9 : memref<10000x8xf32, #tpu.memory_space<vmem>>) offsets(%arg7 : memref<10000xi32, #tpu.memory_space<vmem>>) semaphore(%arg11 : memref<!tpu.dma_semaphore, #tpu.memory_space<semaphore_mem>>)
    %dma_wait3A_20 = arith.constant 0 : i32
    %dma_wait3A_21 = arith.constant 0 : i32
    %dma_wait3A_22 = tpu.memref_slice %arg4[%dma_wait3A_20, %dma_wait3A_21] : memref<10000x8xf32, #tpu.memory_space<hbm>> -> memref<10000x8xf32, #tpu.memory_space<hbm>>
    tpu.wait_indirect_dma semaphore(%arg11 : memref<!tpu.dma_semaphore, #tpu.memory_space<semaphore_mem>>) src(%dma_wait3A_22 : memref<10000x8xf32, #tpu.memory_space<hbm>>) dst(%arg9 : memref<10000x8xf32, #tpu.memory_space<vmem>>)
    %barrier3A = arith.constant 0 : index
    tpu.barrier barrier_id(%barrier3A)
    "tpu.region"() ({
      %run_scoped3A = tpu.sem_alloc : memref<!tpu.dma_semaphore, #tpu.memory_space<semaphore_mem>>
      %dma_start3A_28 = arith.constant 0 : i32
      %dma_start3A_29 = arith.constant 0 : i32
      %dma_start3A_30 = tpu.memref_slice %arg10[%dma_start3A_28, %dma_start3A_29] : memref<10000x8xf32, #tpu.memory_space<vmem_shared>> -> memref<10000x8xf32, #tpu.memory_space<vmem_shared>>
      tpu.enqueue_indirect_dma source(%arg9 : memref<10000x8xf32, #tpu.memory_space<vmem>>) target(%dma_start3A_30 : memref<10000x8xf32, #tpu.memory_space<vmem_shared>>) offsets(%arg8 : memref<10000xi32, #tpu.memory_space<vmem>>) semaphore(%run_scoped3A : memref<!tpu.dma_semaphore, #tpu.memory_space<semaphore_mem>>) {add = true}
      %dma_wait3A_31 = arith.constant 0 : i32
      %dma_wait3A_32 = arith.constant 0 : i32
      %dma_wait3A_33 = tpu.memref_slice %arg10[%dma_wait3A_31, %dma_wait3A_32] : memref<10000x8xf32, #tpu.memory_space<vmem_shared>> -> memref<10000x8xf32, #tpu.memory_space<vmem_shared>>
      tpu.wait_indirect_dma semaphore(%run_scoped3A : memref<!tpu.dma_semaphore, #tpu.memory_space<semaphore_mem>>) src(%arg9 : memref<10000x8xf32, #tpu.memory_space<vmem>>) dst(%dma_wait3A_33 : memref<10000x8xf32, #tpu.memory_space<vmem_shared>>)
      tpu.yield
    }) : () -> ()
    %barrier3A_23 = arith.constant 0 : index
    tpu.barrier barrier_id(%barrier3A_23)
    %mul3A_24 = arith.constant 625 : i32
    %mul3A_25 = arith.muli %arg1, %mul3A_24 : i32
    %mul3A_26 = arith.constant 625 : i32
    %mul3A_27 = arith.muli %arg1, %mul3A_26 : i32
    "tpu.region"() ({
      %run_scoped3A = tpu.sem_alloc : memref<!tpu.dma_semaphore, #tpu.memory_space<semaphore_mem>>
      %dma_start3A_28 = arith.constant 0 : i32
      %dma_start3A_29 = tpu.memref_slice %arg6[%arg0, %mul3A_27, %dma_start3A_28] : memref<2x10000x8xf32, #tpu.memory_space<hbm>> -> memref<1x625x8xf32, #tpu.memory_space<hbm>>
      %dma_start3A_30 = tpu.memref_squeeze %dma_start3A_29 : memref<1x625x8xf32, #tpu.memory_space<hbm>> -> memref<625x8xf32, #tpu.memory_space<hbm>>
      %dma_start3A_31 = arith.constant 0 : i32
      %dma_start3A_32 = tpu.memref_slice %arg10[%mul3A_25, %dma_start3A_31] : memref<10000x8xf32, #tpu.memory_space<vmem_shared>> -> memref<625x8xf32, #tpu.memory_space<vmem_shared>>
      tpu.enqueue_dma source(%dma_start3A_32 : memref<625x8xf32, #tpu.memory_space<vmem_shared>>) target(%dma_start3A_30 : memref<625x8xf32, #tpu.memory_space<hbm>>) target_semaphore(%run_scoped3A : memref<!tpu.dma_semaphore, #tpu.memory_space<semaphore_mem>>)
      %dma_wait3A_33 = arith.constant 0 : i32
      %dma_wait3A_34 = tpu.memref_slice %arg6[%arg0, %mul3A_27, %dma_wait3A_33] : memref<2x10000x8xf32, #tpu.memory_space<hbm>> -> memref<1x625x8xf32, #tpu.memory_space<hbm>>
      %dma_wait3A_35 = tpu.memref_squeeze %dma_wait3A_34 : memref<1x625x8xf32, #tpu.memory_space<hbm>> -> memref<625x8xf32, #tpu.memory_space<hbm>>
      %dma_wait3A_36 = arith.constant 0 : i32
      %dma_wait3A_37 = tpu.memref_slice %arg10[%mul3A_25, %dma_wait3A_36] : memref<10000x8xf32, #tpu.memory_space<vmem_shared>> -> memref<625x8xf32, #tpu.memory_space<vmem_shared>>
      tpu.wait_dma2 semaphore(%run_scoped3A : memref<!tpu.dma_semaphore, #tpu.memory_space<semaphore_mem>>) src(%dma_wait3A_37 : memref<625x8xf32, #tpu.memory_space<vmem_shared>>) dst(%dma_wait3A_35 : memref<625x8xf32, #tpu.memory_space<hbm>>)
      tpu.yield
    }) : () -> ()
    return
  }
}

module attributes {stable_mosaic.version = 14 : i64} {
  func.func @_k1_body(%arg0: i32, %arg1: memref<2000x128xf32, #tpu.memory_space<vmem>>, %arg2: memref<1x1x2000xi32, #tpu.memory_space<vmem>>, %arg3: memref<2x2000x1xf32, #tpu.memory_space<vmem>>, %arg4: memref<32x128xf32, #tpu.memory_space<vmem>>, %arg5: memref<1x32xf32, #tpu.memory_space<vmem>>, %arg6: memref<16x32xf32, #tpu.memory_space<vmem>>, %arg7: memref<1x16xf32, #tpu.memory_space<vmem>>, %arg8: memref<8x16xf32, #tpu.memory_space<vmem>>, %arg9: memref<1x8xf32, #tpu.memory_space<vmem>>, %arg10: memref<2000x8xf32, #tpu.memory_space<vmem>>, %arg11: memref<2000x1xf32, #tpu.memory_space<vmem>>, %arg12: memref<100x128xf32, #tpu.memory_space<vmem>>) attributes {dimension_semantics = [#tpu.dimension_semantics<arbitrary>], iteration_bounds = array<i64: 5>, scalar_prefetch = 0 : i64, scratch_operands = 0 : i64, tpu.core_type = #tpu.core_type<tc>, window_params = [{transform_indices = @transform_0, window_bounds = array<i64: 2000, 128>}, {transform_indices = @transform_1, window_bounds = array<i64: 1, 1, 2000>}, {transform_indices = @transform_2, window_bounds = array<i64: 2, 2000, 1>}, {pipeline_mode = #tpu.pipeline_mode<synchronous>, transform_indices = @transform_3, window_bounds = array<i64: 32, 128>}, {pipeline_mode = #tpu.pipeline_mode<synchronous>, transform_indices = @transform_4, window_bounds = array<i64: 1, 32>}, {pipeline_mode = #tpu.pipeline_mode<synchronous>, transform_indices = @transform_5, window_bounds = array<i64: 16, 32>}, {pipeline_mode = #tpu.pipeline_mode<synchronous>, transform_indices = @transform_6, window_bounds = array<i64: 1, 16>}, {pipeline_mode = #tpu.pipeline_mode<synchronous>, transform_indices = @transform_7, window_bounds = array<i64: 8, 16>}, {pipeline_mode = #tpu.pipeline_mode<synchronous>, transform_indices = @transform_8, window_bounds = array<i64: 1, 8>}, {transform_indices = @transform_9, window_bounds = array<i64: 2000, 8>}, {transform_indices = @transform_10, window_bounds = array<i64: 2000, 1>}, {pipeline_mode = #tpu.pipeline_mode<synchronous>, transform_indices = @transform_11, window_bounds = array<i64: 100, 128>}]} {
    %get3A = arith.constant 0 : index
    %get3A_0 = arith.constant 0 : index
    %get3A_1 = vector.load %arg1[%get3A, %get3A_0] : memref<2000x128xf32, #tpu.memory_space<vmem>>, vector<2000x128xf32>
    %get3A_2 = arith.constant 0 : index
    %get3A_3 = arith.constant 0 : index
    %get3A_4 = vector.load %arg4[%get3A_2, %get3A_3] : memref<32x128xf32, #tpu.memory_space<vmem>>, vector<32x128xf32>
    %transpose3A = tpu.transpose %get3A_4, [1, 0] : vector<32x128xf32> -> vector<128x32xf32>
    %dot_general3A = arith.constant dense<0.000000e+00> : vector<2000x32xf32>
    %dot_general3A_5 = tpu.matmul %get3A_1, %transpose3A, %dot_general3A {dimension_numbers = #tpu.dot_dimension_numbers<[1], [0], [0], [1], [0, 0, 1, 1], [], []>, transpose_lhs_hint = false} : vector<2000x128xf32>, vector<128x32xf32>, vector<2000x32xf32> -> vector<2000x32xf32>
    %get3A_6 = arith.constant 0 : index
    %get3A_7 = arith.constant 0 : index
    %get3A_8 = vector.load %arg5[%get3A_6, %get3A_7] : memref<1x32xf32, #tpu.memory_space<vmem>>, vector<1x32xf32>
    %add3A = vector.broadcast %get3A_8 : vector<1x32xf32> to vector<2000x32xf32>
    %add3A_9 = arith.addf %dot_general3A_5, %add3A : vector<2000x32xf32>
    %max3A = arith.constant 0.000000e+00 : f32
    %max3A_10 = vector.broadcast %max3A : f32 to vector<2000x32xf32>
    %max3A_11 = arith.maximumf %add3A_9, %max3A_10 : vector<2000x32xf32>
    %get3A_12 = arith.constant 0 : index
    %get3A_13 = arith.constant 0 : index
    %get3A_14 = vector.load %arg6[%get3A_12, %get3A_13] : memref<16x32xf32, #tpu.memory_space<vmem>>, vector<16x32xf32>
    %transpose3A_15 = tpu.transpose %get3A_14, [1, 0] : vector<16x32xf32> -> vector<32x16xf32>
    %dot_general3A_16 = arith.constant dense<0.000000e+00> : vector<2000x16xf32>
    %dot_general3A_17 = tpu.matmul %max3A_11, %transpose3A_15, %dot_general3A_16 {dimension_numbers = #tpu.dot_dimension_numbers<[1], [0], [0], [1], [0, 0, 1, 1], [], []>, transpose_lhs_hint = false} : vector<2000x32xf32>, vector<32x16xf32>, vector<2000x16xf32> -> vector<2000x16xf32>
    %get3A_18 = arith.constant 0 : index
    %get3A_19 = arith.constant 0 : index
    %get3A_20 = vector.load %arg7[%get3A_18, %get3A_19] : memref<1x16xf32, #tpu.memory_space<vmem>>, vector<1x16xf32>
    %add3A_21 = vector.broadcast %get3A_20 : vector<1x16xf32> to vector<2000x16xf32>
    %add3A_22 = arith.addf %dot_general3A_17, %add3A_21 : vector<2000x16xf32>
    %max3A_23 = arith.constant 0.000000e+00 : f32
    %max3A_24 = vector.broadcast %max3A_23 : f32 to vector<2000x16xf32>
    %max3A_25 = arith.maximumf %add3A_22, %max3A_24 : vector<2000x16xf32>
    %get3A_26 = arith.constant 0 : index
    %get3A_27 = arith.constant 0 : index
    %get3A_28 = vector.load %arg8[%get3A_26, %get3A_27] : memref<8x16xf32, #tpu.memory_space<vmem>>, vector<8x16xf32>
    %transpose3A_29 = tpu.transpose %get3A_28, [1, 0] : vector<8x16xf32> -> vector<16x8xf32>
    %dot_general3A_30 = arith.constant dense<0.000000e+00> : vector<2000x8xf32>
    %dot_general3A_31 = tpu.matmul %max3A_25, %transpose3A_29, %dot_general3A_30 {dimension_numbers = #tpu.dot_dimension_numbers<[1], [0], [0], [1], [0, 0, 1, 1], [], []>, transpose_lhs_hint = false} : vector<2000x16xf32>, vector<16x8xf32>, vector<2000x8xf32> -> vector<2000x8xf32>
    %get3A_32 = arith.constant 0 : index
    %get3A_33 = arith.constant 0 : index
    %get3A_34 = vector.load %arg9[%get3A_32, %get3A_33] : memref<1x8xf32, #tpu.memory_space<vmem>>, vector<1x8xf32>
    %add3A_35 = vector.broadcast %get3A_34 : vector<1x8xf32> to vector<2000x8xf32>
    %add3A_36 = arith.addf %dot_general3A_31, %add3A_35 : vector<2000x8xf32>
    %get3A_37 = arith.constant 0 : index
    %get3A_38 = arith.constant 0 : index
    %get3A_39 = arith.constant 0 : index
    %get3A_40 = vector.load %arg3[%get3A_37, %get3A_38, %get3A_39] : memref<2x2000x1xf32, #tpu.memory_space<vmem>>, vector<1x2000x1xf32>
    %get3A_41 = vector.shape_cast %get3A_40 : vector<1x2000x1xf32> to vector<2000x1xf32>
    %get3A_42 = arith.constant 1 : index
    %get3A_43 = arith.constant 0 : index
    %get3A_44 = arith.constant 0 : index
    %get3A_45 = vector.load %arg3[%get3A_42, %get3A_43, %get3A_44] : memref<2x2000x1xf32, #tpu.memory_space<vmem>>, vector<1x2000x1xf32>
    %get3A_46 = vector.shape_cast %get3A_45 : vector<1x2000x1xf32> to vector<2000x1xf32>
    %add3A_47 = arith.addf %get3A_41, %get3A_46 : vector<2000x1xf32>
    %add3A_48 = arith.constant 1.000000e+00 : f32
    %add3A_49 = vector.broadcast %add3A_48 : f32 to vector<2000x1xf32>
    %add3A_50 = arith.addf %add3A_47, %add3A_49 : vector<2000x1xf32>
    %sqrt3A = math.sqrt %add3A_50 : vector<2000x1xf32>
    %div3A = arith.constant 1.000000e+00 : f32
    %div3A_51 = vector.broadcast %div3A : f32 to vector<2000x1xf32>
    %div3A_52 = arith.divf %div3A_51, %sqrt3A : vector<2000x1xf32>
    %swap3A = arith.constant 0 : index
    %swap3A_53 = arith.constant 0 : index
    %swap3A_54 = vector.load %arg11[%swap3A, %swap3A_53] : memref<2000x1xf32, #tpu.memory_space<vmem>>, vector<2000x1xf32>
    tpu.vector_store %arg11[%swap3A, %swap3A_53], %div3A_52 {strides = array<i32>} : memref<2000x1xf32, #tpu.memory_space<vmem>>, vector<2000x1xf32>,
    %mul3A = vector.broadcast %div3A_52 : vector<2000x1xf32> to vector<2000x8xf32>
    %mul3A_55 = arith.mulf %mul3A, %add3A_36 : vector<2000x8xf32>
    %swap3A_56 = arith.constant 0 : index
    %swap3A_57 = arith.constant 0 : index
    %swap3A_58 = vector.load %arg10[%swap3A_56, %swap3A_57] : memref<2000x8xf32, #tpu.memory_space<vmem>>, vector<2000x8xf32>
    tpu.vector_store %arg10[%swap3A_56, %swap3A_57], %mul3A_55 {strides = array<i32>} : memref<2000x8xf32, #tpu.memory_space<vmem>>, vector<2000x8xf32>,
    %iota3A = tpu.iota {dimensions = array<i32: 0>} : vector<100x2000xi32>
    %get3A_59 = arith.constant 0 : index
    %get3A_60 = arith.constant 0 : index
    %get3A_61 = arith.constant 0 : index
    %get3A_62 = vector.load %arg2[%get3A_59, %get3A_60, %get3A_61] : memref<1x1x2000xi32, #tpu.memory_space<vmem>>, vector<1x1x2000xi32>
    %get3A_63 = vector.shape_cast %get3A_62 : vector<1x1x2000xi32> to vector<1x2000xi32>
    %eq3A = vector.broadcast %get3A_63 : vector<1x2000xi32> to vector<100x2000xi32>
    %eq3A_64 = arith.cmpi eq, %iota3A, %eq3A : vector<100x2000xi32>
    %convert_element_type3A = arith.extui %eq3A_64 : vector<100x2000xi1> to vector<100x2000xi32>
    %convert_element_type3A_65 = arith.sitofp %convert_element_type3A : vector<100x2000xi32> to vector<100x2000xf32>
    %eq3A_66 = arith.constant 0 : i32
    %eq3A_67 = arith.cmpi eq, %arg0, %eq3A_66 : i32
    %convert_element_type3A_68 = arith.extui %eq3A_67 : i1 to i32
    %cond3A = arith.constant 0 : i32
    %cond3A_69 = arith.cmpi ne, %convert_element_type3A_68, %cond3A : i32
    scf.if %cond3A_69 {
      %broadcast_in_dim3A = arith.constant 0.000000e+00 : f32
      %broadcast_in_dim3A_92 = vector.broadcast %broadcast_in_dim3A : f32 to vector<100x128xf32>
      %swap3A_93 = arith.constant 0 : index
      %swap3A_94 = arith.constant 0 : index
      %swap3A_95 = vector.load %arg12[%swap3A_93, %swap3A_94] : memref<100x128xf32, #tpu.memory_space<vmem>>, vector<100x128xf32>
      tpu.vector_store %arg12[%swap3A_93, %swap3A_94], %broadcast_in_dim3A_92 {strides = array<i32>} : memref<100x128xf32, #tpu.memory_space<vmem>>, vector<100x128xf32>,
    } else {
    }
    %get3A_70 = arith.constant 0 : index
    %get3A_71 = arith.constant 0 : index
    %get3A_72 = vector.load %arg12[%get3A_70, %get3A_71] : memref<100x128xf32, #tpu.memory_space<vmem>>, vector<100x128xf32>
    %convert_element_type3A_73 = arith.truncf %convert_element_type3A_65 : vector<100x2000xf32> to vector<100x2000xbf16>
    %convert_element_type3A_74 = arith.truncf %get3A_1 : vector<2000x128xf32> to vector<2000x128xbf16>
    %convert_element_type3A_75 = arith.extf %convert_element_type3A_74 : vector<2000x128xbf16> to vector<2000x128xf32>
    %sub3A = arith.subf %get3A_1, %convert_element_type3A_75 : vector<2000x128xf32>
    %convert_element_type3A_76 = arith.truncf %sub3A : vector<2000x128xf32> to vector<2000x128xbf16>
    %convert_element_type3A_77 = arith.extf %convert_element_type3A_76 : vector<2000x128xbf16> to vector<2000x128xf32>
    %sub3A_78 = arith.subf %sub3A, %convert_element_type3A_77 : vector<2000x128xf32>
    %convert_element_type3A_79 = arith.truncf %sub3A_78 : vector<2000x128xf32> to vector<2000x128xbf16>
    %dot_general3A_80 = arith.constant dense<0.000000e+00> : vector<100x128xf32>
    %dot_general3A_81 = tpu.matmul %convert_element_type3A_73, %convert_element_type3A_79, %dot_general3A_80 {dimension_numbers = #tpu.dot_dimension_numbers<[1], [0], [0], [1], [0, 0, 1, 1], [], []>, transpose_lhs_hint = false} : vector<100x2000xbf16>, vector<2000x128xbf16>, vector<100x128xf32> -> vector<100x128xf32>
    %dot_general3A_82 = arith.constant dense<0.000000e+00> : vector<100x128xf32>
    %dot_general3A_83 = tpu.matmul %convert_element_type3A_73, %convert_element_type3A_76, %dot_general3A_82 {dimension_numbers = #tpu.dot_dimension_numbers<[1], [0], [0], [1], [0, 0, 1, 1], [], []>, transpose_lhs_hint = false} : vector<100x2000xbf16>, vector<2000x128xbf16>, vector<100x128xf32> -> vector<100x128xf32>
    %add3A_84 = arith.addf %dot_general3A_81, %dot_general3A_83 : vector<100x128xf32>
    %dot_general3A_85 = arith.constant dense<0.000000e+00> : vector<100x128xf32>
    %dot_general3A_86 = tpu.matmul %convert_element_type3A_73, %convert_element_type3A_74, %dot_general3A_85 {dimension_numbers = #tpu.dot_dimension_numbers<[1], [0], [0], [1], [0, 0, 1, 1], [], []>, transpose_lhs_hint = false} : vector<100x2000xbf16>, vector<2000x128xbf16>, vector<100x128xf32> -> vector<100x128xf32>
    %add3A_87 = arith.addf %add3A_84, %dot_general3A_86 : vector<100x128xf32>
    %add3A_88 = arith.addf %get3A_72, %add3A_87 : vector<100x128xf32>
    %swap3A_89 = arith.constant 0 : index
    %swap3A_90 = arith.constant 0 : index
    %swap3A_91 = vector.load %arg12[%swap3A_89, %swap3A_90] : memref<100x128xf32, #tpu.memory_space<vmem>>, vector<100x128xf32>
    tpu.vector_store %arg12[%swap3A_89, %swap3A_90], %add3A_88 {strides = array<i32>} : memref<100x128xf32, #tpu.memory_space<vmem>>, vector<100x128xf32>,
    return
  }
  func.func @transform_0(%arg0: i32) -> (i32, i32) {
    %c0_i32 = arith.constant 0 : i32
    %c0_i32_0 = arith.constant 0 : i32
    return %arg0, %c0_i32 : i32, i32
  }
  func.func @transform_1(%arg0: i32) -> (i32, i32, i32) {
    %c0_i32 = arith.constant 0 : i32
    %c0_i32_0 = arith.constant 0 : i32
    %c0_i32_1 = arith.constant 0 : i32
    return %arg0, %c0_i32, %c0_i32_0 : i32, i32, i32
  }
  func.func @transform_2(%arg0: i32) -> (i32, i32, i32) {
    %c0_i32 = arith.constant 0 : i32
    %c0_i32_0 = arith.constant 0 : i32
    %c0_i32_1 = arith.constant 0 : i32
    return %c0_i32, %arg0, %c0_i32_0 : i32, i32, i32
  }
  func.func @transform_3(%arg0: i32) -> (i32, i32) {
    %c0_i32 = arith.constant 0 : i32
    %c0_i32_0 = arith.constant 0 : i32
    %c0_i32_1 = arith.constant 0 : i32
    return %c0_i32, %c0_i32_0 : i32, i32
  }
  func.func @transform_4(%arg0: i32) -> (i32, i32) {
    %c0_i32 = arith.constant 0 : i32
    %c0_i32_0 = arith.constant 0 : i32
    %c0_i32_1 = arith.constant 0 : i32
    return %c0_i32, %c0_i32_0 : i32, i32
  }
  func.func @transform_5(%arg0: i32) -> (i32, i32) {
    %c0_i32 = arith.constant 0 : i32
    %c0_i32_0 = arith.constant 0 : i32
    %c0_i32_1 = arith.constant 0 : i32
    return %c0_i32, %c0_i32_0 : i32, i32
  }
  func.func @transform_6(%arg0: i32) -> (i32, i32) {
    %c0_i32 = arith.constant 0 : i32
    %c0_i32_0 = arith.constant 0 : i32
    %c0_i32_1 = arith.constant 0 : i32
    return %c0_i32, %c0_i32_0 : i32, i32
  }
  func.func @transform_7(%arg0: i32) -> (i32, i32) {
    %c0_i32 = arith.constant 0 : i32
    %c0_i32_0 = arith.constant 0 : i32
    %c0_i32_1 = arith.constant 0 : i32
    return %c0_i32, %c0_i32_0 : i32, i32
  }
  func.func @transform_8(%arg0: i32) -> (i32, i32) {
    %c0_i32 = arith.constant 0 : i32
    %c0_i32_0 = arith.constant 0 : i32
    %c0_i32_1 = arith.constant 0 : i32
    return %c0_i32, %c0_i32_0 : i32, i32
  }
  func.func @transform_9(%arg0: i32) -> (i32, i32) {
    %c0_i32 = arith.constant 0 : i32
    %c0_i32_0 = arith.constant 0 : i32
    return %arg0, %c0_i32 : i32, i32
  }
  func.func @transform_10(%arg0: i32) -> (i32, i32) {
    %c0_i32 = arith.constant 0 : i32
    %c0_i32_0 = arith.constant 0 : i32
    return %arg0, %c0_i32 : i32, i32
  }
  func.func @transform_11(%arg0: i32) -> (i32, i32) {
    %c0_i32 = arith.constant 0 : i32
    %c0_i32_0 = arith.constant 0 : i32
    %c0_i32_1 = arith.constant 0 : i32
    return %c0_i32, %c0_i32_0 : i32, i32
  }
}

module attributes {stable_mosaic.version = 14 : i64} {
  func.func @_k345_body(%arg0: i32, %arg1: i32, %arg2: memref<2x2000x8xf32, #tpu.memory_space<vmem>>, %arg3: memref<2000x8xf32, #tpu.memory_space<vmem>>, %arg4: memref<2000x1xf32, #tpu.memory_space<vmem>>, %arg5: memref<1x1x2000xi32, #tpu.memory_space<vmem>>, %arg6: memref<100x128xf32, #tpu.memory_space<vmem>>, %arg7: memref<32x8xf32, #tpu.memory_space<vmem>>, %arg8: memref<1x32xf32, #tpu.memory_space<vmem>>, %arg9: memref<16x32xf32, #tpu.memory_space<vmem>>, %arg10: memref<1x16xf32, #tpu.memory_space<vmem>>, %arg11: memref<16x16xf32, #tpu.memory_space<vmem>>, %arg12: memref<1x16xf32, #tpu.memory_space<vmem>>, %arg13: memref<32x128xf32, #tpu.memory_space<vmem>>, %arg14: memref<32x16xf32, #tpu.memory_space<vmem>>, %arg15: memref<1x32xf32, #tpu.memory_space<vmem>>, %arg16: memref<16x32xf32, #tpu.memory_space<vmem>>, %arg17: memref<1x16xf32, #tpu.memory_space<vmem>>, %arg18: memref<16x16xf32, #tpu.memory_space<vmem>>, %arg19: memref<1x16xf32, #tpu.memory_space<vmem>>, %arg20: memref<32x16xf32, #tpu.memory_space<vmem>>, %arg21: memref<1x32xf32, #tpu.memory_space<vmem>>, %arg22: memref<16x32xf32, #tpu.memory_space<vmem>>, %arg23: memref<1x16xf32, #tpu.memory_space<vmem>>, %arg24: memref<16x16xf32, #tpu.memory_space<vmem>>, %arg25: memref<1x16xf32, #tpu.memory_space<vmem>>, %arg26: memref<1x32xf32, #tpu.memory_space<vmem>>, %arg27: memref<32x16xf32, #tpu.memory_space<vmem>>, %arg28: memref<32x16xf32, #tpu.memory_space<vmem>>, %arg29: memref<1x32xf32, #tpu.memory_space<vmem>>, %arg30: memref<16x32xf32, #tpu.memory_space<vmem>>, %arg31: memref<1x16xf32, #tpu.memory_space<vmem>>, %arg32: memref<1x16xf32, #tpu.memory_space<vmem>>, %arg33: memref<1x1xf32, #tpu.memory_space<vmem>>, %arg34: memref<32x16xf32, #tpu.memory_space<vmem>>, %arg35: memref<32x16xf32, #tpu.memory_space<vmem>>, %arg36: memref<32x16xf32, #tpu.memory_space<vmem>>, %arg37: memref<1x32xf32, #tpu.memory_space<vmem>>, %arg38: memref<16x32xf32, #tpu.memory_space<vmem>>, %arg39: memref<1x16xf32, #tpu.memory_space<vmem>>, %arg40: memref<1x16xf32, #tpu.memory_space<vmem>>, %arg41: memref<1x1xf32, #tpu.memory_space<vmem>>, %arg42: memref<2000x1xf32, #tpu.memory_space<vmem>>, %arg43: memref<100x50xf32, #tpu.memory_space<vmem>>, %arg44: memref<10000x16xf32, #tpu.memory_space<vmem>>, %arg45: memref<100x16xf32, #tpu.memory_space<vmem>>) attributes {dimension_semantics = [#tpu.dimension_semantics<arbitrary>, #tpu.dimension_semantics<arbitrary>], iteration_bounds = array<i64: 2, 5>, scalar_prefetch = 0 : i64, scratch_operands = 2 : i64, tpu.core_type = #tpu.core_type<tc>, window_params = [{transform_indices = @transform_0, window_bounds = array<i64: 2, 2000, 8>}, {transform_indices = @transform_1, window_bounds = array<i64: 2000, 8>}, {transform_indices = @transform_2, window_bounds = array<i64: 2000, 1>}, {transform_indices = @transform_3, window_bounds = array<i64: 1, 1, 2000>}, {pipeline_mode = #tpu.pipeline_mode<synchronous>, transform_indices = @transform_4, window_bounds = array<i64: 100, 128>}, {pipeline_mode = #tpu.pipeline_mode<synchronous>, transform_indices = @transform_5, window_bounds = array<i64: 32, 8>}, {pipeline_mode = #tpu.pipeline_mode<synchronous>, transform_indices = @transform_6, window_bounds = array<i64: 1, 32>}, {pipeline_mode = #tpu.pipeline_mode<synchronous>, transform_indices = @transform_7, window_bounds = array<i64: 16, 32>}, {pipeline_mode = #tpu.pipeline_mode<synchronous>, transform_indices = @transform_8, window_bounds = array<i64: 1, 16>}, {pipeline_mode = #tpu.pipeline_mode<synchronous>, transform_indices = @transform_9, window_bounds = array<i64: 16, 16>}, {pipeline_mode = #tpu.pipeline_mode<synchronous>, transform_indices = @transform_10, window_bounds = array<i64: 1, 16>}, {pipeline_mode = #tpu.pipeline_mode<synchronous>, transform_indices = @transform_11, window_bounds = array<i64: 32, 128>}, {pipeline_mode = #tpu.pipeline_mode<synchronous>, transform_indices = @transform_12, window_bounds = array<i64: 32, 16>}, {pipeline_mode = #tpu.pipeline_mode<synchronous>, transform_indices = @transform_13, window_bounds = array<i64: 1, 32>}, {pipeline_mode = #tpu.pipeline_mode<synchronous>, transform_indices = @transform_14, window_bounds = array<i64: 16, 32>}, {pipeline_mode = #tpu.pipeline_mode<synchronous>, transform_indices = @transform_15, window_bounds = array<i64: 1, 16>}, {pipeline_mode = #tpu.pipeline_mode<synchronous>, transform_indices = @transform_16, window_bounds = array<i64: 16, 16>}, {pipeline_mode = #tpu.pipeline_mode<synchronous>, transform_indices = @transform_17, window_bounds = array<i64: 1, 16>}, {pipeline_mode = #tpu.pipeline_mode<synchronous>, transform_indices = @transform_18, window_bounds = array<i64: 32, 16>}, {pipeline_mode = #tpu.pipeline_mode<synchronous>, transform_indices = @transform_19, window_bounds = array<i64: 1, 32>}, {pipeline_mode = #tpu.pipeline_mode<synchronous>, transform_indices = @transform_20, window_bounds = array<i64: 16, 32>}, {pipeline_mode = #tpu.pipeline_mode<synchronous>, transform_indices = @transform_21, window_bounds = array<i64: 1, 16>}, {pipeline_mode = #tpu.pipeline_mode<synchronous>, transform_indices = @transform_22, window_bounds = array<i64: 16, 16>}, {pipeline_mode = #tpu.pipeline_mode<synchronous>, transform_indices = @transform_23, window_bounds = array<i64: 1, 16>}, {pipeline_mode = #tpu.pipeline_mode<synchronous>, transform_indices = @transform_24, window_bounds = array<i64: 1, 32>}, {pipeline_mode = #tpu.pipeline_mode<synchronous>, transform_indices = @transform_25, window_bounds = array<i64: 32, 16>}, {pipeline_mode = #tpu.pipeline_mode<synchronous>, transform_indices = @transform_26, window_bounds = array<i64: 32, 16>}, {pipeline_mode = #tpu.pipeline_mode<synchronous>, transform_indices = @transform_27, window_bounds = array<i64: 1, 32>}, {pipeline_mode = #tpu.pipeline_mode<synchronous>, transform_indices = @transform_28, window_bounds = array<i64: 16, 32>}, {pipeline_mode = #tpu.pipeline_mode<synchronous>, transform_indices = @transform_29, window_bounds = array<i64: 1, 16>}, {pipeline_mode = #tpu.pipeline_mode<synchronous>, transform_indices = @transform_30, window_bounds = array<i64: 1, 16>}, {pipeline_mode = #tpu.pipeline_mode<synchronous>, transform_indices = @transform_31, window_bounds = array<i64: 1, 1>}, {pipeline_mode = #tpu.pipeline_mode<synchronous>, transform_indices = @transform_32, window_bounds = array<i64: 32, 16>}, {pipeline_mode = #tpu.pipeline_mode<synchronous>, transform_indices = @transform_33, window_bounds = array<i64: 32, 16>}, {pipeline_mode = #tpu.pipeline_mode<synchronous>, transform_indices = @transform_34, window_bounds = array<i64: 32, 16>}, {pipeline_mode = #tpu.pipeline_mode<synchronous>, transform_indices = @transform_35, window_bounds = array<i64: 1, 32>}, {pipeline_mode = #tpu.pipeline_mode<synchronous>, transform_indices = @transform_36, window_bounds = array<i64: 16, 32>}, {pipeline_mode = #tpu.pipeline_mode<synchronous>, transform_indices = @transform_37, window_bounds = array<i64: 1, 16>}, {pipeline_mode = #tpu.pipeline_mode<synchronous>, transform_indices = @transform_38, window_bounds = array<i64: 1, 16>}, {pipeline_mode = #tpu.pipeline_mode<synchronous>, transform_indices = @transform_39, window_bounds = array<i64: 1, 1>}, {transform_indices = @transform_40, window_bounds = array<i64: 2000, 1>}, {pipeline_mode = #tpu.pipeline_mode<synchronous>, transform_indices = @transform_41, window_bounds = array<i64: 100, 50>}]} {
    %iota3A = tpu.iota {dimensions = array<i32: 0>} : vector<100x2000xi32>
    %get3A = arith.constant 0 : index
    %get3A_0 = arith.constant 0 : index
    %get3A_1 = arith.constant 0 : index
    %get3A_2 = vector.load %arg5[%get3A, %get3A_0, %get3A_1] : memref<1x1x2000xi32, #tpu.memory_space<vmem>>, vector<1x1x2000xi32>
    %get3A_3 = vector.shape_cast %get3A_2 : vector<1x1x2000xi32> to vector<1x2000xi32>
    %eq3A = vector.broadcast %get3A_3 : vector<1x2000xi32> to vector<100x2000xi32>
    %eq3A_4 = arith.cmpi eq, %iota3A, %eq3A : vector<100x2000xi32>
    %convert_element_type3A = arith.extui %eq3A_4 : vector<100x2000xi1> to vector<100x2000xi32>
    %convert_element_type3A_5 = arith.sitofp %convert_element_type3A : vector<100x2000xi32> to vector<100x2000xf32>
    %eq3A_6 = arith.constant 0 : i32
    %eq3A_7 = arith.cmpi eq, %arg0, %eq3A_6 : i32
    %convert_element_type3A_8 = arith.extui %eq3A_7 : i1 to i32
    %cond3A = arith.constant 0 : i32
    %cond3A_9 = arith.cmpi ne, %convert_element_type3A_8, %cond3A : i32
    scf.if %cond3A_9 {
      %get3A_15 = arith.constant 0 : index
      %get3A_16 = arith.constant 0 : index
      %get3A_17 = vector.load %arg4[%get3A_15, %get3A_16] : memref<2000x1xf32, #tpu.memory_space<vmem>>, vector<2000x1xf32>
      %get3A_18 = arith.constant 0 : index
      %get3A_19 = arith.constant 0 : index
      %get3A_20 = arith.constant 0 : index
      %get3A_21 = vector.load %arg2[%get3A_18, %get3A_19, %get3A_20] : memref<2x2000x8xf32, #tpu.memory_space<vmem>>, vector<1x2000x8xf32>
      %get3A_22 = vector.shape_cast %get3A_21 : vector<1x2000x8xf32> to vector<2000x8xf32>
      %get3A_23 = arith.constant 1 : index
      %get3A_24 = arith.constant 0 : index
      %get3A_25 = arith.constant 0 : index
      %get3A_26 = vector.load %arg2[%get3A_23, %get3A_24, %get3A_25] : memref<2x2000x8xf32, #tpu.memory_space<vmem>>, vector<1x2000x8xf32>
      %get3A_27 = vector.shape_cast %get3A_26 : vector<1x2000x8xf32> to vector<2000x8xf32>
      %add3A = arith.addf %get3A_22, %get3A_27 : vector<2000x8xf32>
      %get3A_28 = arith.constant 0 : index
      %get3A_29 = arith.constant 0 : index
      %get3A_30 = vector.load %arg3[%get3A_28, %get3A_29] : memref<2000x8xf32, #tpu.memory_space<vmem>>, vector<2000x8xf32>
      %add3A_31 = arith.addf %add3A, %get3A_30 : vector<2000x8xf32>
      %mul3A = vector.broadcast %get3A_17 : vector<2000x1xf32> to vector<2000x8xf32>
      %mul3A_32 = arith.mulf %mul3A, %add3A_31 : vector<2000x8xf32>
      %get3A_33 = arith.constant 0 : index
      %get3A_34 = arith.constant 0 : index
      %get3A_35 = vector.load %arg7[%get3A_33, %get3A_34] : memref<32x8xf32, #tpu.memory_space<vmem>>, vector<32x8xf32>
      %transpose3A = tpu.transpose %get3A_35, [1, 0] : vector<32x8xf32> -> vector<8x32xf32>
      %dot_general3A = arith.constant dense<0.000000e+00> : vector<2000x32xf32>
      %dot_general3A_36 = tpu.matmul %mul3A_32, %transpose3A, %dot_general3A {dimension_numbers = #tpu.dot_dimension_numbers<[1], [0], [0], [1], [0, 0, 1, 1], [], []>, transpose_lhs_hint = false} : vector<2000x8xf32>, vector<8x32xf32>, vector<2000x32xf32> -> vector<2000x32xf32>
      %get3A_37 = arith.constant 0 : index
      %get3A_38 = arith.constant 0 : index
      %get3A_39 = vector.load %arg8[%get3A_37, %get3A_38] : memref<1x32xf32, #tpu.memory_space<vmem>>, vector<1x32xf32>
      %add3A_40 = vector.broadcast %get3A_39 : vector<1x32xf32> to vector<2000x32xf32>
      %add3A_41 = arith.addf %dot_general3A_36, %add3A_40 : vector<2000x32xf32>
      %max3A = arith.constant 0.000000e+00 : f32
      %max3A_42 = vector.broadcast %max3A : f32 to vector<2000x32xf32>
      %max3A_43 = arith.maximumf %add3A_41, %max3A_42 : vector<2000x32xf32>
      %get3A_44 = arith.constant 0 : index
      %get3A_45 = arith.constant 0 : index
      %get3A_46 = vector.load %arg9[%get3A_44, %get3A_45] : memref<16x32xf32, #tpu.memory_space<vmem>>, vector<16x32xf32>
      %transpose3A_47 = tpu.transpose %get3A_46, [1, 0] : vector<16x32xf32> -> vector<32x16xf32>
      %dot_general3A_48 = arith.constant dense<0.000000e+00> : vector<2000x16xf32>
      %dot_general3A_49 = tpu.matmul %max3A_43, %transpose3A_47, %dot_general3A_48 {dimension_numbers = #tpu.dot_dimension_numbers<[1], [0], [0], [1], [0, 0, 1, 1], [], []>, transpose_lhs_hint = false} : vector<2000x32xf32>, vector<32x16xf32>, vector<2000x16xf32> -> vector<2000x16xf32>
      %get3A_50 = arith.constant 0 : index
      %get3A_51 = arith.constant 0 : index
      %get3A_52 = vector.load %arg10[%get3A_50, %get3A_51] : memref<1x16xf32, #tpu.memory_space<vmem>>, vector<1x16xf32>
      %add3A_53 = vector.broadcast %get3A_52 : vector<1x16xf32> to vector<2000x16xf32>
      %add3A_54 = arith.addf %dot_general3A_49, %add3A_53 : vector<2000x16xf32>
      %max3A_55 = arith.constant 0.000000e+00 : f32
      %max3A_56 = vector.broadcast %max3A_55 : f32 to vector<2000x16xf32>
      %max3A_57 = arith.maximumf %add3A_54, %max3A_56 : vector<2000x16xf32>
      %get3A_58 = arith.constant 0 : index
      %get3A_59 = arith.constant 0 : index
      %get3A_60 = vector.load %arg11[%get3A_58, %get3A_59] : memref<16x16xf32, #tpu.memory_space<vmem>>, vector<16x16xf32>
      %transpose3A_61 = tpu.transpose %get3A_60, [1, 0] : vector<16x16xf32> -> vector<16x16xf32>
      %dot_general3A_62 = arith.constant dense<0.000000e+00> : vector<2000x16xf32>
      %dot_general3A_63 = tpu.matmul %max3A_57, %transpose3A_61, %dot_general3A_62 {dimension_numbers = #tpu.dot_dimension_numbers<[1], [0], [0], [1], [0, 0, 1, 1], [], []>, transpose_lhs_hint = false} : vector<2000x16xf32>, vector<16x16xf32>, vector<2000x16xf32> -> vector<2000x16xf32>
      %get3A_64 = arith.constant 0 : index
      %get3A_65 = arith.constant 0 : index
      %get3A_66 = vector.load %arg12[%get3A_64, %get3A_65] : memref<1x16xf32, #tpu.memory_space<vmem>>, vector<1x16xf32>
      %add3A_67 = vector.broadcast %get3A_66 : vector<1x16xf32> to vector<2000x16xf32>
      %add3A_68 = arith.addf %dot_general3A_63, %add3A_67 : vector<2000x16xf32>
      %mul3A_69 = arith.constant 2000 : i32
      %mul3A_70 = arith.muli %arg1, %mul3A_69 : i32
      %swap3A = arith.index_cast %mul3A_70 : i32 to index
      %swap3A_71 = arith.constant 0 : index
      %swap3A_72 = vector.load %arg44[%swap3A, %swap3A_71] : memref<10000x16xf32, #tpu.memory_space<vmem>>, vector<2000x16xf32>
      tpu.vector_store %arg44[%swap3A, %swap3A_71], %add3A_68 {strides = array<i32>} : memref<10000x16xf32, #tpu.memory_space<vmem>>, vector<2000x16xf32>,
      %eq3A_73 = arith.constant 0 : i32
      %eq3A_74 = arith.cmpi eq, %arg1, %eq3A_73 : i32
      %convert_element_type3A_75 = arith.extui %eq3A_74 : i1 to i32
      %cond3A_76 = arith.constant 0 : i32
      %cond3A_77 = arith.cmpi ne, %convert_element_type3A_75, %cond3A_76 : i32
      scf.if %cond3A_77 {
        %broadcast_in_dim3A = arith.constant 0.000000e+00 : f32
        %broadcast_in_dim3A_87 = vector.broadcast %broadcast_in_dim3A : f32 to vector<100x16xf32>
        %swap3A_88 = arith.constant 0 : index
        %swap3A_89 = arith.constant 0 : index
        %swap3A_90 = vector.load %arg45[%swap3A_88, %swap3A_89] : memref<100x16xf32, #tpu.memory_space<vmem>>, vector<100x16xf32>
        tpu.vector_store %arg45[%swap3A_88, %swap3A_89], %broadcast_in_dim3A_87 {strides = array<i32>} : memref<100x16xf32, #tpu.memory_space<vmem>>, vector<100x16xf32>,
      } else {
      }
      %get3A_78 = arith.constant 0 : index
      %get3A_79 = arith.constant 0 : index
      %get3A_80 = vector.load %arg45[%get3A_78, %get3A_79] : memref<100x16xf32, #tpu.memory_space<vmem>>, vector<100x16xf32>
      %dot_general3A_81 = arith.constant dense<0.000000e+00> : vector<100x16xf32>
      %dot_general3A_82 = tpu.matmul %convert_element_type3A_5, %add3A_68, %dot_general3A_81 {dimension_numbers = #tpu.dot_dimension_numbers<[1], [0], [0], [1], [0, 0, 1, 1], [], []>, precision = #tpu.contract_precision<fp32>, transpose_lhs_hint = false} : vector<100x2000xf32>, vector<2000x16xf32>, vector<100x16xf32> -> vector<100x16xf32>
      %add3A_83 = arith.addf %get3A_80, %dot_general3A_82 : vector<100x16xf32>
      %swap3A_84 = arith.constant 0 : index
      %swap3A_85 = arith.constant 0 : index
      %swap3A_86 = vector.load %arg45[%swap3A_84, %swap3A_85] : memref<100x16xf32, #tpu.memory_space<vmem>>, vector<100x16xf32>
      tpu.vector_store %arg45[%swap3A_84, %swap3A_85], %add3A_83 {strides = array<i32>} : memref<100x16xf32, #tpu.memory_space<vmem>>, vector<100x16xf32>,
    } else {
    }
    %eq3A_10 = arith.constant 1 : i32
    %eq3A_11 = arith.cmpi eq, %arg0, %eq3A_10 : i32
    %convert_element_type3A_12 = arith.extui %eq3A_11 : i1 to i32
    %cond3A_13 = arith.constant 0 : i32
    %cond3A_14 = arith.cmpi ne, %convert_element_type3A_12, %cond3A_13 : i32
    scf.if %cond3A_14 {
      %get3A_15 = arith.constant 0 : index
      %get3A_16 = arith.constant 0 : index
      %get3A_17 = vector.load %arg6[%get3A_15, %get3A_16] : memref<100x128xf32, #tpu.memory_space<vmem>>, vector<100x128xf32>
      %get3A_18 = arith.constant 0 : index
      %get3A_19 = arith.constant 0 : index
      %get3A_20 = vector.load %arg13[%get3A_18, %get3A_19] : memref<32x128xf32, #tpu.memory_space<vmem>>, vector<32x128xf32>
      %transpose3A = tpu.transpose %get3A_20, [1, 0] : vector<32x128xf32> -> vector<128x32xf32>
      %dot_general3A = arith.constant dense<0.000000e+00> : vector<100x32xf32>
      %dot_general3A_21 = tpu.matmul %get3A_17, %transpose3A, %dot_general3A {dimension_numbers = #tpu.dot_dimension_numbers<[1], [0], [0], [1], [0, 0, 1, 1], [], []>, transpose_lhs_hint = false} : vector<100x128xf32>, vector<128x32xf32>, vector<100x32xf32> -> vector<100x32xf32>
      %get3A_22 = arith.constant 0 : index
      %get3A_23 = arith.constant 0 : index
      %get3A_24 = vector.load %arg45[%get3A_22, %get3A_23] : memref<100x16xf32, #tpu.memory_space<vmem>>, vector<100x16xf32>
      %get3A_25 = arith.constant 0 : index
      %get3A_26 = arith.constant 0 : index
      %get3A_27 = vector.load %arg14[%get3A_25, %get3A_26] : memref<32x16xf32, #tpu.memory_space<vmem>>, vector<32x16xf32>
      %transpose3A_28 = tpu.transpose %get3A_27, [1, 0] : vector<32x16xf32> -> vector<16x32xf32>
      %dot_general3A_29 = arith.constant dense<0.000000e+00> : vector<100x32xf32>
      %dot_general3A_30 = tpu.matmul %get3A_24, %transpose3A_28, %dot_general3A_29 {dimension_numbers = #tpu.dot_dimension_numbers<[1], [0], [0], [1], [0, 0, 1, 1], [], []>, transpose_lhs_hint = false} : vector<100x16xf32>, vector<16x32xf32>, vector<100x32xf32> -> vector<100x32xf32>
      %add3A = arith.addf %dot_general3A_21, %dot_general3A_30 : vector<100x32xf32>
      %get3A_31 = arith.constant 0 : index
      %get3A_32 = arith.constant 0 : index
      %get3A_33 = vector.load %arg15[%get3A_31, %get3A_32] : memref<1x32xf32, #tpu.memory_space<vmem>>, vector<1x32xf32>
      %add3A_34 = vector.broadcast %get3A_33 : vector<1x32xf32> to vector<100x32xf32>
      %add3A_35 = arith.addf %add3A, %add3A_34 : vector<100x32xf32>
      %max3A = arith.constant 0.000000e+00 : f32
      %max3A_36 = vector.broadcast %max3A : f32 to vector<100x32xf32>
      %max3A_37 = arith.maximumf %add3A_35, %max3A_36 : vector<100x32xf32>
      %get3A_38 = arith.constant 0 : index
      %get3A_39 = arith.constant 0 : index
      %get3A_40 = vector.load %arg16[%get3A_38, %get3A_39] : memref<16x32xf32, #tpu.memory_space<vmem>>, vector<16x32xf32>
      %transpose3A_41 = tpu.transpose %get3A_40, [1, 0] : vector<16x32xf32> -> vector<32x16xf32>
      %dot_general3A_42 = arith.constant dense<0.000000e+00> : vector<100x16xf32>
      %dot_general3A_43 = tpu.matmul %max3A_37, %transpose3A_41, %dot_general3A_42 {dimension_numbers = #tpu.dot_dimension_numbers<[1], [0], [0], [1], [0, 0, 1, 1], [], []>, transpose_lhs_hint = false} : vector<100x32xf32>, vector<32x16xf32>, vector<100x16xf32> -> vector<100x16xf32>
      %get3A_44 = arith.constant 0 : index
      %get3A_45 = arith.constant 0 : index
      %get3A_46 = vector.load %arg17[%get3A_44, %get3A_45] : memref<1x16xf32, #tpu.memory_space<vmem>>, vector<1x16xf32>
      %add3A_47 = vector.broadcast %get3A_46 : vector<1x16xf32> to vector<100x16xf32>
      %add3A_48 = arith.addf %dot_general3A_43, %add3A_47 : vector<100x16xf32>
      %max3A_49 = arith.constant 0.000000e+00 : f32
      %max3A_50 = vector.broadcast %max3A_49 : f32 to vector<100x16xf32>
      %max3A_51 = arith.maximumf %add3A_48, %max3A_50 : vector<100x16xf32>
      %get3A_52 = arith.constant 0 : index
      %get3A_53 = arith.constant 0 : index
      %get3A_54 = vector.load %arg18[%get3A_52, %get3A_53] : memref<16x16xf32, #tpu.memory_space<vmem>>, vector<16x16xf32>
      %transpose3A_55 = tpu.transpose %get3A_54, [1, 0] : vector<16x16xf32> -> vector<16x16xf32>
      %dot_general3A_56 = arith.constant dense<0.000000e+00> : vector<100x16xf32>
      %dot_general3A_57 = tpu.matmul %max3A_51, %transpose3A_55, %dot_general3A_56 {dimension_numbers = #tpu.dot_dimension_numbers<[1], [0], [0], [1], [0, 0, 1, 1], [], []>, transpose_lhs_hint = false} : vector<100x16xf32>, vector<16x16xf32>, vector<100x16xf32> -> vector<100x16xf32>
      %get3A_58 = arith.constant 0 : index
      %get3A_59 = arith.constant 0 : index
      %get3A_60 = vector.load %arg19[%get3A_58, %get3A_59] : memref<1x16xf32, #tpu.memory_space<vmem>>, vector<1x16xf32>
      %add3A_61 = vector.broadcast %get3A_60 : vector<1x16xf32> to vector<100x16xf32>
      %add3A_62 = arith.addf %dot_general3A_57, %add3A_61 : vector<100x16xf32>
      %reduce_sum3A = arith.constant dense<0.000000e+00> : vector<16xf32>
      %reduce_sum3A_63 = vector.multi_reduction <add>, %add3A_62, %reduce_sum3A [0] : vector<100x16xf32> to vector<16xf32>
      %broadcast_in_dim3A = vector.shape_cast %reduce_sum3A_63 : vector<16xf32> to vector<1x16xf32>
      %get3A_64 = arith.constant 0 : index
      %get3A_65 = arith.constant 0 : index
      %get3A_66 = vector.load %arg20[%get3A_64, %get3A_65] : memref<32x16xf32, #tpu.memory_space<vmem>>, vector<32x16xf32>
      %transpose3A_67 = tpu.transpose %get3A_66, [1, 0] : vector<32x16xf32> -> vector<16x32xf32>
      %dot_general3A_68 = arith.constant dense<0.000000e+00> : vector<1x32xf32>
      %dot_general3A_69 = tpu.matmul %broadcast_in_dim3A, %transpose3A_67, %dot_general3A_68 {dimension_numbers = #tpu.dot_dimension_numbers<[1], [0], [0], [1], [0, 0, 1, 1], [], []>, transpose_lhs_hint = false} : vector<1x16xf32>, vector<16x32xf32>, vector<1x32xf32> -> vector<1x32xf32>
      %get3A_70 = arith.constant 0 : index
      %get3A_71 = arith.constant 0 : index
      %get3A_72 = vector.load %arg21[%get3A_70, %get3A_71] : memref<1x32xf32, #tpu.memory_space<vmem>>, vector<1x32xf32>
      %add3A_73 = arith.addf %dot_general3A_69, %get3A_72 : vector<1x32xf32>
      %max3A_74 = arith.constant 0.000000e+00 : f32
      %max3A_75 = vector.broadcast %max3A_74 : f32 to vector<1x32xf32>
      %max3A_76 = arith.maximumf %add3A_73, %max3A_75 : vector<1x32xf32>
      %get3A_77 = arith.constant 0 : index
      %get3A_78 = arith.constant 0 : index
      %get3A_79 = vector.load %arg22[%get3A_77, %get3A_78] : memref<16x32xf32, #tpu.memory_space<vmem>>, vector<16x32xf32>
      %transpose3A_80 = tpu.transpose %get3A_79, [1, 0] : vector<16x32xf32> -> vector<32x16xf32>
      %dot_general3A_81 = arith.constant dense<0.000000e+00> : vector<1x16xf32>
      %dot_general3A_82 = tpu.matmul %max3A_76, %transpose3A_80, %dot_general3A_81 {dimension_numbers = #tpu.dot_dimension_numbers<[1], [0], [0], [1], [0, 0, 1, 1], [], []>, transpose_lhs_hint = false} : vector<1x32xf32>, vector<32x16xf32>, vector<1x16xf32> -> vector<1x16xf32>
      %get3A_83 = arith.constant 0 : index
      %get3A_84 = arith.constant 0 : index
      %get3A_85 = vector.load %arg23[%get3A_83, %get3A_84] : memref<1x16xf32, #tpu.memory_space<vmem>>, vector<1x16xf32>
      %add3A_86 = arith.addf %dot_general3A_82, %get3A_85 : vector<1x16xf32>
      %max3A_87 = arith.constant 0.000000e+00 : f32
      %max3A_88 = vector.broadcast %max3A_87 : f32 to vector<1x16xf32>
      %max3A_89 = arith.maximumf %add3A_86, %max3A_88 : vector<1x16xf32>
      %get3A_90 = arith.constant 0 : index
      %get3A_91 = arith.constant 0 : index
      %get3A_92 = vector.load %arg24[%get3A_90, %get3A_91] : memref<16x16xf32, #tpu.memory_space<vmem>>, vector<16x16xf32>
      %transpose3A_93 = tpu.transpose %get3A_92, [1, 0] : vector<16x16xf32> -> vector<16x16xf32>
      %dot_general3A_94 = arith.constant dense<0.000000e+00> : vector<1x16xf32>
      %dot_general3A_95 = tpu.matmul %max3A_89, %transpose3A_93, %dot_general3A_94 {dimension_numbers = #tpu.dot_dimension_numbers<[1], [0], [0], [1], [0, 0, 1, 1], [], []>, transpose_lhs_hint = false} : vector<1x16xf32>, vector<16x16xf32>, vector<1x16xf32> -> vector<1x16xf32>
      %get3A_96 = arith.constant 0 : index
      %get3A_97 = arith.constant 0 : index
      %get3A_98 = vector.load %arg25[%get3A_96, %get3A_97] : memref<1x16xf32, #tpu.memory_space<vmem>>, vector<1x16xf32>
      %add3A_99 = arith.addf %dot_general3A_95, %get3A_98 : vector<1x16xf32>
      %eq3A_100 = arith.constant 0 : i32
      %eq3A_101 = arith.cmpi eq, %arg1, %eq3A_100 : i32
      %convert_element_type3A_102 = arith.extui %eq3A_101 : i1 to i32
      %cond3A_103 = arith.constant 0 : i32
      %cond3A_104 = arith.cmpi ne, %convert_element_type3A_102, %cond3A_103 : i32
      scf.if %cond3A_104 {
        %get3A_173 = arith.constant 0 : index
        %get3A_174 = arith.constant 0 : index
        %get3A_175 = vector.load %arg27[%get3A_173, %get3A_174] : memref<32x16xf32, #tpu.memory_space<vmem>>, vector<32x16xf32>
        %transpose3A_176 = tpu.transpose %get3A_175, [1, 0] : vector<32x16xf32> -> vector<16x32xf32>
        %dot_general3A_177 = arith.constant dense<0.000000e+00> : vector<100x32xf32>
        %dot_general3A_178 = tpu.matmul %add3A_62, %transpose3A_176, %dot_general3A_177 {dimension_numbers = #tpu.dot_dimension_numbers<[1], [0], [0], [1], [0, 0, 1, 1], [], []>, transpose_lhs_hint = false} : vector<100x16xf32>, vector<16x32xf32>, vector<100x32xf32> -> vector<100x32xf32>
        %get3A_179 = arith.constant 0 : index
        %get3A_180 = arith.constant 0 : index
        %get3A_181 = vector.load %arg28[%get3A_179, %get3A_180] : memref<32x16xf32, #tpu.memory_space<vmem>>, vector<32x16xf32>
        %transpose3A_182 = tpu.transpose %get3A_181, [1, 0] : vector<32x16xf32> -> vector<16x32xf32>
        %dot_general3A_183 = arith.constant dense<0.000000e+00> : vector<1x32xf32>
        %dot_general3A_184 = tpu.matmul %add3A_99, %transpose3A_182, %dot_general3A_183 {dimension_numbers = #tpu.dot_dimension_numbers<[1], [0], [0], [1], [0, 0, 1, 1], [], []>, transpose_lhs_hint = false} : vector<1x16xf32>, vector<16x32xf32>, vector<1x32xf32> -> vector<1x32xf32>
        %get3A_185 = arith.constant 0 : index
        %get3A_186 = arith.constant 0 : index
        %get3A_187 = vector.load %arg29[%get3A_185, %get3A_186] : memref<1x32xf32, #tpu.memory_space<vmem>>, vector<1x32xf32>
        %add3A_188 = arith.addf %dot_general3A_184, %get3A_187 : vector<1x32xf32>
        %iota3A_189 = tpu.iota {dimensions = array<i32: 0>} : vector<50x32xi32>
        %add3A_190 = arith.constant 1 : i32
        %add3A_191 = vector.broadcast %add3A_190 : i32 to vector<50x32xi32>
        %add3A_192 = arith.addi %iota3A_189, %add3A_191 : vector<50x32xi32>
        %convert_element_type3A_193 = arith.sitofp %add3A_192 : vector<50x32xi32> to vector<50x32xf32>
        %get3A_194 = arith.constant 0 : index
        %get3A_195 = arith.constant 0 : index
        %get3A_196 = vector.load %arg26[%get3A_194, %get3A_195] : memref<1x32xf32, #tpu.memory_space<vmem>>, vector<1x32xf32>
        %mul3A_197 = vector.broadcast %get3A_196 : vector<1x32xf32> to vector<50x32xf32>
        %mul3A_198 = arith.mulf %convert_element_type3A_193, %mul3A_197 : vector<50x32xf32>
        %broadcast_in_dim3A_199 = vector.shape_cast %dot_general3A_178 : vector<100x32xf32> to vector<100x1x32xf32>
        %broadcast_in_dim3A_200 = vector.shape_cast %mul3A_198 : vector<50x32xf32> to vector<1x50x32xf32>
        %add3A_201 = vector.broadcast %broadcast_in_dim3A_199 : vector<100x1x32xf32> to vector<100x50x32xf32>
        %add3A_202 = vector.broadcast %broadcast_in_dim3A_200 : vector<1x50x32xf32> to vector<100x50x32xf32>
        %add3A_203 = arith.addf %add3A_201, %add3A_202 : vector<100x50x32xf32>
        %broadcast_in_dim3A_204 = vector.shape_cast %add3A_188 : vector<1x32xf32> to vector<1x1x32xf32>
        %add3A_205 = vector.broadcast %broadcast_in_dim3A_204 : vector<1x1x32xf32> to vector<100x50x32xf32>
        %add3A_206 = arith.addf %add3A_203, %add3A_205 : vector<100x50x32xf32>
        %max3A_207 = arith.constant 0.000000e+00 : f32
        %max3A_208 = vector.broadcast %max3A_207 : f32 to vector<100x50x32xf32>
        %max3A_209 = arith.maximumf %add3A_206, %max3A_208 : vector<100x50x32xf32>
        %get3A_210 = arith.constant 0 : index
        %get3A_211 = arith.constant 0 : index
        %get3A_212 = vector.load %arg30[%get3A_210, %get3A_211] : memref<16x32xf32, #tpu.memory_space<vmem>>, vector<16x32xf32>
        %dot_general3A_213 = arith.constant dense<0.000000e+00> : vector<100x50x16xf32>
        %dot_general3A_214 = tpu.matmul %max3A_209, %get3A_212, %dot_general3A_213 {dimension_numbers = #tpu.dot_dimension_numbers<[2], [1], [0, 1], [0], [0, 0, 0, 1, 1, 0], [], []>, transpose_lhs_hint = false} : vector<100x50x32xf32>, vector<16x32xf32>, vector<100x50x16xf32> -> vector<100x50x16xf32>
        %get3A_215 = arith.constant 0 : index
        %get3A_216 = arith.constant 0 : index
        %get3A_217 = vector.load %arg31[%get3A_215, %get3A_216] : memref<1x16xf32, #tpu.memory_space<vmem>>, vector<1x16xf32>
        %broadcast_in_dim3A_218 = vector.shape_cast %get3A_217 : vector<1x16xf32> to vector<1x1x16xf32>
        %add3A_219 = vector.broadcast %broadcast_in_dim3A_218 : vector<1x1x16xf32> to vector<100x50x16xf32>
        %add3A_220 = arith.addf %dot_general3A_214, %add3A_219 : vector<100x50x16xf32>
        %max3A_221 = arith.constant 0.000000e+00 : f32
        %max3A_222 = vector.broadcast %max3A_221 : f32 to vector<100x50x16xf32>
        %max3A_223 = arith.maximumf %add3A_220, %max3A_222 : vector<100x50x16xf32>
        %convert_element_type3A_224 = arith.truncf %max3A_223 : vector<100x50x16xf32> to vector<100x50x16xbf16>
        %convert_element_type3A_225 = arith.extf %convert_element_type3A_224 : vector<100x50x16xbf16> to vector<100x50x16xf32>
        %get3A_226 = arith.constant 0 : index
        %get3A_227 = arith.constant 0 : index
        %get3A_228 = vector.load %arg32[%get3A_226, %get3A_227] : memref<1x16xf32, #tpu.memory_space<vmem>>, vector<1x16xf32>
        %convert_element_type3A_229 = arith.truncf %get3A_228 : vector<1x16xf32> to vector<1x16xbf16>
        %convert_element_type3A_230 = arith.extf %convert_element_type3A_229 : vector<1x16xbf16> to vector<1x16xf32>
        %broadcast_in_dim3A_231 = vector.shape_cast %convert_element_type3A_230 : vector<1x16xf32> to vector<1x1x16xf32>
        %mul3A_232 = vector.broadcast %broadcast_in_dim3A_231 : vector<1x1x16xf32> to vector<100x50x16xf32>
        %mul3A_233 = arith.mulf %convert_element_type3A_225, %mul3A_232 : vector<100x50x16xf32>
        %reduce_sum3A_234 = arith.constant dense<0.000000e+00> : vector<100x50xf32>
        %reduce_sum3A_235 = vector.multi_reduction <add>, %mul3A_233, %reduce_sum3A_234 [2] : vector<100x50x16xf32> to vector<100x50xf32>
        %get3A_236 = arith.constant 0 : index
        %get3A_237 = arith.constant 0 : index
        %get3A_238 = vector.load %arg33[%get3A_236, %get3A_237] : memref<1x1xf32, #tpu.memory_space<vmem>>, vector<1x1xf32>
        %add3A_239 = vector.broadcast %get3A_238 : vector<1x1xf32> to vector<100x50xf32>
        %add3A_240 = arith.addf %reduce_sum3A_235, %add3A_239 : vector<100x50xf32>
        %swap3A_241 = arith.constant 0 : index
        %swap3A_242 = arith.constant 0 : index
        %swap3A_243 = vector.load %arg43[%swap3A_241, %swap3A_242] : memref<100x50xf32, #tpu.memory_space<vmem>>, vector<100x50xf32>
        tpu.vector_store %arg43[%swap3A_241, %swap3A_242], %add3A_240 {strides = array<i32>} : memref<100x50xf32, #tpu.memory_space<vmem>>, vector<100x50xf32>,
      } else {
      }
      %dot_general3A_105 = arith.constant dense<0.000000e+00> : vector<2000x16xf32>
      %dot_general3A_106 = tpu.matmul %convert_element_type3A_5, %add3A_62, %dot_general3A_105 {dimension_numbers = #tpu.dot_dimension_numbers<[0], [0], [1], [1], [0, 1, 1, 1], [], []>, precision = #tpu.contract_precision<fp32>, transpose_lhs_hint = false} : vector<100x2000xf32>, vector<100x16xf32>, vector<2000x16xf32> -> vector<2000x16xf32>
      %mul3A = arith.constant 2000 : i32
      %mul3A_107 = arith.muli %arg1, %mul3A : i32
      %get3A_108 = arith.index_cast %mul3A_107 : i32 to index
      %get3A_109 = arith.constant 0 : index
      %get3A_110 = vector.load %arg44[%get3A_108, %get3A_109] : memref<10000x16xf32, #tpu.memory_space<vmem>>, vector<2000x16xf32>
      %get3A_111 = arith.constant 0 : index
      %get3A_112 = arith.constant 0 : index
      %get3A_113 = vector.load %arg34[%get3A_111, %get3A_112] : memref<32x16xf32, #tpu.memory_space<vmem>>, vector<32x16xf32>
      %transpose3A_114 = tpu.transpose %get3A_113, [1, 0] : vector<32x16xf32> -> vector<16x32xf32>
      %dot_general3A_115 = arith.constant dense<0.000000e+00> : vector<2000x32xf32>
      %dot_general3A_116 = tpu.matmul %get3A_110, %transpose3A_114, %dot_general3A_115 {dimension_numbers = #tpu.dot_dimension_numbers<[1], [0], [0], [1], [0, 0, 1, 1], [], []>, transpose_lhs_hint = false} : vector<2000x16xf32>, vector<16x32xf32>, vector<2000x32xf32> -> vector<2000x32xf32>
      %get3A_117 = arith.constant 0 : index
      %get3A_118 = arith.constant 0 : index
      %get3A_119 = vector.load %arg35[%get3A_117, %get3A_118] : memref<32x16xf32, #tpu.memory_space<vmem>>, vector<32x16xf32>
      %transpose3A_120 = tpu.transpose %get3A_119, [1, 0] : vector<32x16xf32> -> vector<16x32xf32>
      %dot_general3A_121 = arith.constant dense<0.000000e+00> : vector<2000x32xf32>
      %dot_general3A_122 = tpu.matmul %dot_general3A_106, %transpose3A_120, %dot_general3A_121 {dimension_numbers = #tpu.dot_dimension_numbers<[1], [0], [0], [1], [0, 0, 1, 1], [], []>, transpose_lhs_hint = false} : vector<2000x16xf32>, vector<16x32xf32>, vector<2000x32xf32> -> vector<2000x32xf32>
      %add3A_123 = arith.addf %dot_general3A_116, %dot_general3A_122 : vector<2000x32xf32>
      %get3A_124 = arith.constant 0 : index
      %get3A_125 = arith.constant 0 : index
      %get3A_126 = vector.load %arg36[%get3A_124, %get3A_125] : memref<32x16xf32, #tpu.memory_space<vmem>>, vector<32x16xf32>
      %transpose3A_127 = tpu.transpose %get3A_126, [1, 0] : vector<32x16xf32> -> vector<16x32xf32>
      %dot_general3A_128 = arith.constant dense<0.000000e+00> : vector<1x32xf32>
      %dot_general3A_129 = tpu.matmul %add3A_99, %transpose3A_127, %dot_general3A_128 {dimension_numbers = #tpu.dot_dimension_numbers<[1], [0], [0], [1], [0, 0, 1, 1], [], []>, transpose_lhs_hint = false} : vector<1x16xf32>, vector<16x32xf32>, vector<1x32xf32> -> vector<1x32xf32>
      %add3A_130 = vector.broadcast %dot_general3A_129 : vector<1x32xf32> to vector<2000x32xf32>
      %add3A_131 = arith.addf %add3A_123, %add3A_130 : vector<2000x32xf32>
      %get3A_132 = arith.constant 0 : index
      %get3A_133 = arith.constant 0 : index
      %get3A_134 = vector.load %arg37[%get3A_132, %get3A_133] : memref<1x32xf32, #tpu.memory_space<vmem>>, vector<1x32xf32>
      %add3A_135 = vector.broadcast %get3A_134 : vector<1x32xf32> to vector<2000x32xf32>
      %add3A_136 = arith.addf %add3A_131, %add3A_135 : vector<2000x32xf32>
      %max3A_137 = arith.constant 0.000000e+00 : f32
      %max3A_138 = vector.broadcast %max3A_137 : f32 to vector<2000x32xf32>
      %max3A_139 = arith.maximumf %add3A_136, %max3A_138 : vector<2000x32xf32>
      %get3A_140 = arith.constant 0 : index
      %get3A_141 = arith.constant 0 : index
      %get3A_142 = vector.load %arg38[%get3A_140, %get3A_141] : memref<16x32xf32, #tpu.memory_space<vmem>>, vector<16x32xf32>
      %transpose3A_143 = tpu.transpose %get3A_142, [1, 0] : vector<16x32xf32> -> vector<32x16xf32>
      %dot_general3A_144 = arith.constant dense<0.000000e+00> : vector<2000x16xf32>
      %dot_general3A_145 = tpu.matmul %max3A_139, %transpose3A_143, %dot_general3A_144 {dimension_numbers = #tpu.dot_dimension_numbers<[1], [0], [0], [1], [0, 0, 1, 1], [], []>, transpose_lhs_hint = false} : vector<2000x32xf32>, vector<32x16xf32>, vector<2000x16xf32> -> vector<2000x16xf32>
      %get3A_146 = arith.constant 0 : index
      %get3A_147 = arith.constant 0 : index
      %get3A_148 = vector.load %arg39[%get3A_146, %get3A_147] : memref<1x16xf32, #tpu.memory_space<vmem>>, vector<1x16xf32>
      %add3A_149 = vector.broadcast %get3A_148 : vector<1x16xf32> to vector<2000x16xf32>
      %add3A_150 = arith.addf %dot_general3A_145, %add3A_149 : vector<2000x16xf32>
      %max3A_151 = arith.constant 0.000000e+00 : f32
      %max3A_152 = vector.broadcast %max3A_151 : f32 to vector<2000x16xf32>
      %max3A_153 = arith.maximumf %add3A_150, %max3A_152 : vector<2000x16xf32>
      %convert_element_type3A_154 = arith.truncf %max3A_153 : vector<2000x16xf32> to vector<2000x16xbf16>
      %convert_element_type3A_155 = arith.extf %convert_element_type3A_154 : vector<2000x16xbf16> to vector<2000x16xf32>
      %get3A_156 = arith.constant 0 : index
      %get3A_157 = arith.constant 0 : index
      %get3A_158 = vector.load %arg40[%get3A_156, %get3A_157] : memref<1x16xf32, #tpu.memory_space<vmem>>, vector<1x16xf32>
      %convert_element_type3A_159 = arith.truncf %get3A_158 : vector<1x16xf32> to vector<1x16xbf16>
      %convert_element_type3A_160 = arith.extf %convert_element_type3A_159 : vector<1x16xbf16> to vector<1x16xf32>
      %mul3A_161 = vector.broadcast %convert_element_type3A_160 : vector<1x16xf32> to vector<2000x16xf32>
      %mul3A_162 = arith.mulf %convert_element_type3A_155, %mul3A_161 : vector<2000x16xf32>
      %reduce_sum3A_163 = arith.constant dense<0.000000e+00> : vector<2000xf32>
      %reduce_sum3A_164 = vector.multi_reduction <add>, %mul3A_162, %reduce_sum3A_163 [1] : vector<2000x16xf32> to vector<2000xf32>
      %broadcast_in_dim3A_165 = vector.shape_cast %reduce_sum3A_164 : vector<2000xf32> to vector<2000x1xf32>
      %get3A_166 = arith.constant 0 : index
      %get3A_167 = arith.constant 0 : index
      %get3A_168 = vector.load %arg41[%get3A_166, %get3A_167] : memref<1x1xf32, #tpu.memory_space<vmem>>, vector<1x1xf32>
      %add3A_169 = vector.broadcast %get3A_168 : vector<1x1xf32> to vector<2000x1xf32>
      %add3A_170 = arith.addf %broadcast_in_dim3A_165, %add3A_169 : vector<2000x1xf32>
      %swap3A = arith.constant 0 : index
      %swap3A_171 = arith.constant 0 : index
      %swap3A_172 = vector.load %arg42[%swap3A, %swap3A_171] : memref<2000x1xf32, #tpu.memory_space<vmem>>, vector<2000x1xf32>
      tpu.vector_store %arg42[%swap3A, %swap3A_171], %add3A_170 {strides = array<i32>} : memref<2000x1xf32, #tpu.memory_space<vmem>>, vector<2000x1xf32>,
    } else {
    }
    return
  }
  func.func @transform_0(%arg0: i32, %arg1: i32) -> (i32, i32, i32) {
    %c0_i32 = arith.constant 0 : i32
    %c0_i32_0 = arith.constant 0 : i32
    %c0_i32_1 = arith.constant 0 : i32
    return %c0_i32, %arg1, %c0_i32_0 : i32, i32, i32
  }
  func.func @transform_1(%arg0: i32, %arg1: i32) -> (i32, i32) {
    %c0_i32 = arith.constant 0 : i32
    %c0_i32_0 = arith.constant 0 : i32
    return %arg1, %c0_i32 : i32, i32
  }
  func.func @transform_2(%arg0: i32, %arg1: i32) -> (i32, i32) {
    %c0_i32 = arith.constant 0 : i32
    %c0_i32_0 = arith.constant 0 : i32
    return %arg1, %c0_i32 : i32, i32
  }
  func.func @transform_3(%arg0: i32, %arg1: i32) -> (i32, i32, i32) {
    %c0_i32 = arith.constant 0 : i32
    %c0_i32_0 = arith.constant 0 : i32
    %c0_i32_1 = arith.constant 0 : i32
    return %arg1, %c0_i32, %c0_i32_0 : i32, i32, i32
  }
  func.func @transform_4(%arg0: i32, %arg1: i32) -> (i32, i32) {
    %c0_i32 = arith.constant 0 : i32
    %c0_i32_0 = arith.constant 0 : i32
    %c0_i32_1 = arith.constant 0 : i32
    return %c0_i32, %c0_i32_0 : i32, i32
  }
  func.func @transform_5(%arg0: i32, %arg1: i32) -> (i32, i32) {
    %c0_i32 = arith.constant 0 : i32
    %c0_i32_0 = arith.constant 0 : i32
    %c0_i32_1 = arith.constant 0 : i32
    return %c0_i32, %c0_i32_0 : i32, i32
  }
  func.func @transform_6(%arg0: i32, %arg1: i32) -> (i32, i32) {
    %c0_i32 = arith.constant 0 : i32
    %c0_i32_0 = arith.constant 0 : i32
    %c0_i32_1 = arith.constant 0 : i32
    return %c0_i32, %c0_i32_0 : i32, i32
  }
  func.func @transform_7(%arg0: i32, %arg1: i32) -> (i32, i32) {
    %c0_i32 = arith.constant 0 : i32
    %c0_i32_0 = arith.constant 0 : i32
    %c0_i32_1 = arith.constant 0 : i32
    return %c0_i32, %c0_i32_0 : i32, i32
  }
  func.func @transform_8(%arg0: i32, %arg1: i32) -> (i32, i32) {
    %c0_i32 = arith.constant 0 : i32
    %c0_i32_0 = arith.constant 0 : i32
    %c0_i32_1 = arith.constant 0 : i32
    return %c0_i32, %c0_i32_0 : i32, i32
  }
  func.func @transform_9(%arg0: i32, %arg1: i32) -> (i32, i32) {
    %c0_i32 = arith.constant 0 : i32
    %c0_i32_0 = arith.constant 0 : i32
    %c0_i32_1 = arith.constant 0 : i32
    return %c0_i32, %c0_i32_0 : i32, i32
  }
  func.func @transform_10(%arg0: i32, %arg1: i32) -> (i32, i32) {
    %c0_i32 = arith.constant 0 : i32
    %c0_i32_0 = arith.constant 0 : i32
    %c0_i32_1 = arith.constant 0 : i32
    return %c0_i32, %c0_i32_0 : i32, i32
  }
  func.func @transform_11(%arg0: i32, %arg1: i32) -> (i32, i32) {
    %c0_i32 = arith.constant 0 : i32
    %c0_i32_0 = arith.constant 0 : i32
    %c0_i32_1 = arith.constant 0 : i32
    return %c0_i32, %c0_i32_0 : i32, i32
  }
  func.func @transform_12(%arg0: i32, %arg1: i32) -> (i32, i32) {
    %c0_i32 = arith.constant 0 : i32
    %c0_i32_0 = arith.constant 0 : i32
    %c0_i32_1 = arith.constant 0 : i32
    return %c0_i32, %c0_i32_0 : i32, i32
  }
  func.func @transform_13(%arg0: i32, %arg1: i32) -> (i32, i32) {
    %c0_i32 = arith.constant 0 : i32
    %c0_i32_0 = arith.constant 0 : i32
    %c0_i32_1 = arith.constant 0 : i32
    return %c0_i32, %c0_i32_0 : i32, i32
  }
  func.func @transform_14(%arg0: i32, %arg1: i32) -> (i32, i32) {
    %c0_i32 = arith.constant 0 : i32
    %c0_i32_0 = arith.constant 0 : i32
    %c0_i32_1 = arith.constant 0 : i32
    return %c0_i32, %c0_i32_0 : i32, i32
  }
  func.func @transform_15(%arg0: i32, %arg1: i32) -> (i32, i32) {
    %c0_i32 = arith.constant 0 : i32
    %c0_i32_0 = arith.constant 0 : i32
    %c0_i32_1 = arith.constant 0 : i32
    return %c0_i32, %c0_i32_0 : i32, i32
  }
  func.func @transform_16(%arg0: i32, %arg1: i32) -> (i32, i32) {
    %c0_i32 = arith.constant 0 : i32
    %c0_i32_0 = arith.constant 0 : i32
    %c0_i32_1 = arith.constant 0 : i32
    return %c0_i32, %c0_i32_0 : i32, i32
  }
  func.func @transform_17(%arg0: i32, %arg1: i32) -> (i32, i32) {
    %c0_i32 = arith.constant 0 : i32
    %c0_i32_0 = arith.constant 0 : i32
    %c0_i32_1 = arith.constant 0 : i32
    return %c0_i32, %c0_i32_0 : i32, i32
  }
  func.func @transform_18(%arg0: i32, %arg1: i32) -> (i32, i32) {
    %c0_i32 = arith.constant 0 : i32
    %c0_i32_0 = arith.constant 0 : i32
    %c0_i32_1 = arith.constant 0 : i32
    return %c0_i32, %c0_i32_0 : i32, i32
  }
  func.func @transform_19(%arg0: i32, %arg1: i32) -> (i32, i32) {
    %c0_i32 = arith.constant 0 : i32
    %c0_i32_0 = arith.constant 0 : i32
    %c0_i32_1 = arith.constant 0 : i32
    return %c0_i32, %c0_i32_0 : i32, i32
  }
  func.func @transform_20(%arg0: i32, %arg1: i32) -> (i32, i32) {
    %c0_i32 = arith.constant 0 : i32
    %c0_i32_0 = arith.constant 0 : i32
    %c0_i32_1 = arith.constant 0 : i32
    return %c0_i32, %c0_i32_0 : i32, i32
  }
  func.func @transform_21(%arg0: i32, %arg1: i32) -> (i32, i32) {
    %c0_i32 = arith.constant 0 : i32
    %c0_i32_0 = arith.constant 0 : i32
    %c0_i32_1 = arith.constant 0 : i32
    return %c0_i32, %c0_i32_0 : i32, i32
  }
  func.func @transform_22(%arg0: i32, %arg1: i32) -> (i32, i32) {
    %c0_i32 = arith.constant 0 : i32
    %c0_i32_0 = arith.constant 0 : i32
    %c0_i32_1 = arith.constant 0 : i32
    return %c0_i32, %c0_i32_0 : i32, i32
  }
  func.func @transform_23(%arg0: i32, %arg1: i32) -> (i32, i32) {
    %c0_i32 = arith.constant 0 : i32
    %c0_i32_0 = arith.constant 0 : i32
    %c0_i32_1 = arith.constant 0 : i32
    return %c0_i32, %c0_i32_0 : i32, i32
  }
  func.func @transform_24(%arg0: i32, %arg1: i32) -> (i32, i32) {
    %c0_i32 = arith.constant 0 : i32
    %c0_i32_0 = arith.constant 0 : i32
    %c0_i32_1 = arith.constant 0 : i32
    return %c0_i32, %c0_i32_0 : i32, i32
  }
  func.func @transform_25(%arg0: i32, %arg1: i32) -> (i32, i32) {
    %c0_i32 = arith.constant 0 : i32
    %c0_i32_0 = arith.constant 0 : i32
    %c0_i32_1 = arith.constant 0 : i32
    return %c0_i32, %c0_i32_0 : i32, i32
  }
  func.func @transform_26(%arg0: i32, %arg1: i32) -> (i32, i32) {
    %c0_i32 = arith.constant 0 : i32
    %c0_i32_0 = arith.constant 0 : i32
    %c0_i32_1 = arith.constant 0 : i32
    return %c0_i32, %c0_i32_0 : i32, i32
  }
  func.func @transform_27(%arg0: i32, %arg1: i32) -> (i32, i32) {
    %c0_i32 = arith.constant 0 : i32
    %c0_i32_0 = arith.constant 0 : i32
    %c0_i32_1 = arith.constant 0 : i32
    return %c0_i32, %c0_i32_0 : i32, i32
  }
  func.func @transform_28(%arg0: i32, %arg1: i32) -> (i32, i32) {
    %c0_i32 = arith.constant 0 : i32
    %c0_i32_0 = arith.constant 0 : i32
    %c0_i32_1 = arith.constant 0 : i32
    return %c0_i32, %c0_i32_0 : i32, i32
  }
  func.func @transform_29(%arg0: i32, %arg1: i32) -> (i32, i32) {
    %c0_i32 = arith.constant 0 : i32
    %c0_i32_0 = arith.constant 0 : i32
    %c0_i32_1 = arith.constant 0 : i32
    return %c0_i32, %c0_i32_0 : i32, i32
  }
  func.func @transform_30(%arg0: i32, %arg1: i32) -> (i32, i32) {
    %c0_i32 = arith.constant 0 : i32
    %c0_i32_0 = arith.constant 0 : i32
    %c0_i32_1 = arith.constant 0 : i32
    return %c0_i32, %c0_i32_0 : i32, i32
  }
  func.func @transform_31(%arg0: i32, %arg1: i32) -> (i32, i32) {
    %c0_i32 = arith.constant 0 : i32
    %c0_i32_0 = arith.constant 0 : i32
    %c0_i32_1 = arith.constant 0 : i32
    return %c0_i32, %c0_i32_0 : i32, i32
  }
  func.func @transform_32(%arg0: i32, %arg1: i32) -> (i32, i32) {
    %c0_i32 = arith.constant 0 : i32
    %c0_i32_0 = arith.constant 0 : i32
    %c0_i32_1 = arith.constant 0 : i32
    return %c0_i32, %c0_i32_0 : i32, i32
  }
  func.func @transform_33(%arg0: i32, %arg1: i32) -> (i32, i32) {
    %c0_i32 = arith.constant 0 : i32
    %c0_i32_0 = arith.constant 0 : i32
    %c0_i32_1 = arith.constant 0 : i32
    return %c0_i32, %c0_i32_0 : i32, i32
  }
  func.func @transform_34(%arg0: i32, %arg1: i32) -> (i32, i32) {
    %c0_i32 = arith.constant 0 : i32
    %c0_i32_0 = arith.constant 0 : i32
    %c0_i32_1 = arith.constant 0 : i32
    return %c0_i32, %c0_i32_0 : i32, i32
  }
  func.func @transform_35(%arg0: i32, %arg1: i32) -> (i32, i32) {
    %c0_i32 = arith.constant 0 : i32
    %c0_i32_0 = arith.constant 0 : i32
    %c0_i32_1 = arith.constant 0 : i32
    return %c0_i32, %c0_i32_0 : i32, i32
  }
  func.func @transform_36(%arg0: i32, %arg1: i32) -> (i32, i32) {
    %c0_i32 = arith.constant 0 : i32
    %c0_i32_0 = arith.constant 0 : i32
    %c0_i32_1 = arith.constant 0 : i32
    return %c0_i32, %c0_i32_0 : i32, i32
  }
  func.func @transform_37(%arg0: i32, %arg1: i32) -> (i32, i32) {
    %c0_i32 = arith.constant 0 : i32
    %c0_i32_0 = arith.constant 0 : i32
    %c0_i32_1 = arith.constant 0 : i32
    return %c0_i32, %c0_i32_0 : i32, i32
  }
  func.func @transform_38(%arg0: i32, %arg1: i32) -> (i32, i32) {
    %c0_i32 = arith.constant 0 : i32
    %c0_i32_0 = arith.constant 0 : i32
    %c0_i32_1 = arith.constant 0 : i32
    return %c0_i32, %c0_i32_0 : i32, i32
  }
  func.func @transform_39(%arg0: i32, %arg1: i32) -> (i32, i32) {
    %c0_i32 = arith.constant 0 : i32
    %c0_i32_0 = arith.constant 0 : i32
    %c0_i32_1 = arith.constant 0 : i32
    return %c0_i32, %c0_i32_0 : i32, i32
  }
  func.func @transform_40(%arg0: i32, %arg1: i32) -> (i32, i32) {
    %mul3A = arith.muli %arg0, %arg1 : i32
    %sub3A = arith.constant 1 : i32
    %sub3A_0 = arith.subi %sub3A, %arg0 : i32
    %mul3A_1 = arith.constant 5 : i32
    %mul3A_2 = arith.muli %sub3A_0, %mul3A_1 : i32
    %add3A = arith.addi %mul3A, %mul3A_2 : i32
    %c0_i32 = arith.constant 0 : i32
    %c0_i32_3 = arith.constant 0 : i32
    return %add3A, %c0_i32 : i32, i32
  }
  func.func @transform_41(%arg0: i32, %arg1: i32) -> (i32, i32) {
    %c0_i32 = arith.constant 0 : i32
    %c0_i32_0 = arith.constant 0 : i32
    %c0_i32_1 = arith.constant 0 : i32
    return %c0_i32, %c0_i32_0 : i32, i32
  }
}

</mosaic_0001>

<sc_bundles>
// kernel: kernel.6.cloned.1.call-start
scs
__scs_entry_jumppad:
0x0: {  	(pc) =	sbr.rel $0x88, $3  }
0x1: {  	(tag) =	ssettag $0x0;
	lr =	simm.s32 $0x1  }
0x2: {  	[smem:$0x3F7A] =	sst lr;
	_ =	strace $0xD0000000  }
0x3: {  	_ = 	snop  }
0x4: {  	_ = 	snop  }
0x5: {  	_ = 	snop  }
0x6: {  	_ = 	snop  }
0x7: {  	_ = 	snop  }
__scs_overlays_trampoline_lowered:
0x8: {  	[smem:$0x3F89] =	sst s0  }
0x9: {  	[smem:$0x3F8A] =	sst s1  }
0xa: {  	[smem:$0x3F8B] =	sst s2  }
0xb: {  	[smem:$0x3F8C] =	sst s3  }
0xc: {  	[smem:$0x3F8D] =	sst s4  }
0xd: {  	[smem:$0x3F8E] =	sst s5  }
0xe: {  	[smem:$0x3F8F] =	sst s6  }
0xf: {  	[smem:$0x3F90] =	sst s7  }
0x10: {  	[smem:$0x3F91] =	sst s8  }
0x11: {  	[smem:$0x3F92] =	sst s9;
	s0 =	simm.s32 @!p0 $0x0  }
0x12: {  	s1 =	sld [smem:$0x3F78];
	s0 =	simm.s32 @p0 $0x1  }
0x13: {  	[smem:$0x3F93] =	sst s0;
	s0 =	simm.s32 @!p1 $0x0  }
0x14: {  	s2 =	sld [smem:$0x3F77];
	s0 =	simm.s32 @p1 $0x1  }
0x15: {  	[smem:$0x3F94] =	sst s0;
	s0 =	simm.s32 @!p2 $0x0  }
0x16: {  	s3 =	sld [smem:$0x3FDB];
	s0 =	simm.s32 @p2 $0x1  }
0x17: {  	s4 =	simm.s32 $0x1BF5;
	[smem:$0x3F96] =	sst s0  }
0x18: {  	s0 =	sld [smem:$0x3F79];
	_ =	swait.ge [sflag:s4], $0x0  }
0x19: {  	s7 =	sld [smem:$0x3F7A]  }
0x1a: {  	s8 =	sadd.s32 $0xFFFFE003, lr  }
0x1b: {  	s9 =	sadd.s32 $0xFFFFFEF7, lr;
	s5 =	simm.s32 $0xFFFFFFFF;
	p2 =	slt.u32 s8, $0xFFFFF086  }
0x1c: {  	p1 =	slt.u32 s9, $0xF7A;
	s5 =	simm.s32 @!p2 $0x0  }
0x1d: {  	s5 =	simm.s32 @p1 $0x1;
	p0 =	seq.s32 s7, s2  }
0x1e: {  	s7 =	smul.u32 @!p0 $0xF7A, s2;
	p2 =	seq.s32 @!p0 s5, $0x0  }
0x1f: {  	s9 =	smul.u32 $0xF7A, s1;
	s8 =	simm.s32 @!p0 $0x1BF5;
	p2 =	por !p2, p0  }
0x20: {  	[sflag:s8] =	ssyncset.s32 @!p0 $0xFFFFF086;
	s6 =	sadd.s32 @!p0 s3, s7;
	s7 =	simm.s32 @!p0 $0x108  }
0x21: {  	s3 =	sadd.s32 s3, s9;
	s6 =	sadd.s32 @!p0 $0x88, s6;
	s7 =	simm.s32 @p2 $0x1082  }
0x22: {  	[simem:s7], [sflag:s8] =	dma.local @!p0 [hbm:s6], $0xF7A  }
0x23: {  	s9 =	sor.u32 $0xD0000000, s2;
	s6 =	simm.s32 $0x108;
	_ =	swait.ge @!p0 [sflag:s8], $0x0  }
0x24: {  	s3 =	sadd.s32 $0x88, s3;
	s6 =	simm.s32 @!p1 $0x1082;
	[sflag:s4] =	ssyncset.s32 $0xFFFFF086  }
0x25: {  	[simem:s6], [sflag:s4] =	dma.local [hbm:s3], $0xF7A  }
0x26: {  	[smem:$0x3F7A] =	sst s1;
	(tag) =	ssettag s2;
	_ =	strace s9  }
0x27: {  	s1 =	sld [smem:$0x3F8A]  }
0x28: {  	s2 =	sld [smem:$0x3F8B]  }
0x29: {  	s4 =	sld [smem:$0x3F8D]  }
0x2a: {  	p0 =	seq.s32 s5, $0x0;
	s5 =	sld [smem:$0x3F8E]  }
0x2b: {  	s6 =	sld [smem:$0x3F8F]  }
0x2c: {  	s7 =	sld [smem:$0x3F90]  }
0x2d: {  	s3 =	simm.s32 $0x108;
	s8 =	sld [smem:$0x3F91]  }
0x2e: {  	s3 =	simm.s32 @!p0 $0x1082;
	s9 =	sld [smem:$0x3F92]  }
0x2f: {  	lr =	sadd.s32 s0, s3;
	s0 =	sld [smem:$0x3F89]  }
0x30: {  	s3 =	sld [smem:$0x3F8C]  }
0x31: {  	[smem:$0x3F95] =	sst s10  }
0x32: {  	s10 =	sld [smem:$0x3F93];
	_ =	sdelay $0x3  }
0x33: {  	p0 =	seq.s32 s10, $0x1;
	s10 =	sld [smem:$0x3F95];
	_ =	sdelay $0x3  }
0x34: {  	[smem:$0x3F95] =	sst s10  }
0x35: {  	s10 =	sld [smem:$0x3F94];
	_ =	sdelay $0x3  }
0x36: {  	p1 =	seq.s32 s10, $0x1;
	s10 =	sld [smem:$0x3F95];
	_ =	sdelay $0x3  }
0x37: {  	[smem:$0x3F95] =	sst s10  }
0x38: {  	s10 =	sld [smem:$0x3F96]  }
0x39: {  	_ = 	snop;
	(pc) =	sbr.ind lr, $3  }
0x3a: {  	_ = 	snop  }
0x3b: {  	_ = 	snop  }
0x3c: {  	p2 =	seq.s32 s10, $0x1;
	s10 =	sld [smem:$0x3F95]  }
0x3d: {  	_ =	shalt  }
0x3e: {  	_ =	shalt  }
0x3f: {  	_ =	shalt  }
0x40: {  	_ =	shalt  }
0x41: {  	_ =	shalt  }
0x42: {  	_ =	shalt  }
0x43: {  	_ =	shalt  }
0x44: {  	_ =	shalt  }
0x45: {  	_ =	shalt  }
0x46: {  	_ =	shalt  }
0x47: {  	_ =	shalt  }
0x48: {  	_ =	shalt  }
0x49: {  	_ =	shalt  }
0x4a: {  	_ =	shalt  }
0x4b: {  	_ =	shalt  }
0x4c: {  	_ =	shalt  }
0x4d: {  	_ =	shalt  }
0x4e: {  	_ =	shalt  }
0x4f: {  	_ =	shalt  }
0x50: {  	_ =	shalt  }
0x51: {  	_ =	shalt  }
0x52: {  	_ =	shalt  }
0x53: {  	_ =	shalt  }
0x54: {  	_ =	shalt  }
0x55: {  	_ =	shalt  }
0x56: {  	_ =	shalt  }
0x57: {  	_ =	shalt  }
0x58: {  	_ =	shalt  }
0x59: {  	_ =	shalt  }
0x5a: {  	_ =	shalt  }
0x5b: {  	_ =	shalt  }
0x5c: {  	_ =	shalt  }
0x5d: {  	_ =	shalt  }
0x5e: {  	_ =	shalt  }
0x5f: {  	_ =	shalt  }
0x60: {  	_ =	shalt  }
0x61: {  	_ =	shalt  }
0x62: {  	_ =	shalt  }
0x63: {  	_ =	shalt  }
0x64: {  	_ =	shalt  }
0x65: {  	_ =	shalt  }
0x66: {  	_ =	shalt  }
0x67: {  	_ =	shalt  }
0x68: {  	_ =	shalt  }
0x69: {  	_ =	shalt  }
0x6a: {  	_ =	shalt  }
0x6b: {  	_ =	shalt  }
0x6c: {  	_ =	shalt  }
0x6d: {  	_ =	shalt  }
0x6e: {  	_ =	shalt  }
0x6f: {  	_ =	shalt  }
0x70: {  	_ =	shalt  }
0x71: {  	_ =	shalt  }
0x72: {  	_ =	shalt  }
0x73: {  	_ =	shalt  }
0x74: {  	_ =	shalt  }
0x75: {  	_ =	shalt  }
0x76: {  	_ =	shalt  }
0x77: {  	_ =	shalt  }
0x78: {  	_ =	shalt  }
0x79: {  	_ =	shalt  }
0x7a: {  	_ =	shalt  }
0x7b: {  	_ =	shalt  }
0x7c: {  	_ =	shalt  }
0x7d: {  	_ =	shalt  }
0x7e: {  	_ =	shalt  }
0x7f: {  	_ =	shalt  }
0x80: {  	_ =	shalt  }
0x81: {  	_ =	shalt  }
0x82: {  	_ =	shalt  }
0x83: {  	_ =	shalt  }
0x84: {  	_ =	shalt  }
0x85: {  	_ =	shalt  }
0x86: {  	_ =	shalt  }
0x87: {  	_ =	shalt  }
.Lfunc_end0:
.L_simem_size_0:
called_computation_lowered:
.L_overlay_start_0:
0x88: {  	s2 =	sld [smem:$0x3FD9]  }
0x89: {  	s3 =	sld [smem:$0x3FFE];
	_ =	sdelay $0x1  }
0x8a: {  	s1 =	srdreg.scid  }
0x8b: {  	s0 =	sand.u32 $0x1, s1  }
0x8c: {  	s14 =	sshll.u32 s0, $0xA;
	s2 =	sadd.s32 s3, s2  }
0x8d: {  	s2 =	sadd.s32 s2, s14  }
0x8e: {  	[smem:$0x3FA1] =	sst s2  }
0x8f: {  	_ = 	snop  }
0x90: {  	s2 =	sld [smem:$0x3FD0];
	_ =	sdelay $0x2  }
0x91: {  	s15 =	simm.s32 $0xA;
	s4 =	simm.s32 $0x10  }
0x92: {  	[smem:s4], [sflag:s15] =	dma.local [hbm:s2], $0x1  }
0x93: {  	_ =	swait.eq [sflag:s15], $0x1  }
0x94: {  	[sflag:s15] =	ssyncset.done $0x0  }
0x95: {  	s16 =	sld [smem:$0x10];
	[sflag:s15] =	ssyncadd.s32 $0xFFFFFFFF  }
0x96: {  	s17 =	sld [smem:$0x11];
	(tm) =	ssettm $0x1  }
0x97: {  	s18 =	sld [smem:$0x3FFB];
	_ =	sdelay $0x3  }
0x98: {  	_ =	strace s18  }
0x99: {  	s4 =	sld [smem:$0x3FFC];
	_ =	sdelay $0x3  }
0x9a: {  	_ =	strace s4  }
0x9b: {  	s4 =	sld [smem:$0x3FFD];
	_ =	sdelay $0x3  }
0x9c: {  	_ =	strace s4  }
0x9d: {  	_ =	strace $0x8FFFFFFF  }
0x9e: {  	s19 =	sld [smem:$0x3FDB];
	_ =	sdelay $0x1  }
0x9f: {  	s5 =	simm.s32 $_scs_section_size  }
0xa0: {  	s6 =	simm.s32 $_size__tile_overlayer_lowered;
	s7 =	simm.s32 $_tile_overlayer_lowered  }
0xa1: {  	s22 =	simm.s32 $0x1BFF;
	s21 =	sshll.u32 s7, $0x1;
	s4 =	sadd.s32 s5, s19  }
0xa2: {  	s8 =	simm.s32 $0x0;
	s20 =	sshll.u32 s6, $0x1;
	s6 =	sadd.s32 s21, s4  }
0xa3: {  	[timem:s8], [sflag:s22] =	dma.local [hbm:s6], s20  }
0xa4: {  	_ =	swait.ge [sflag:s22], s20  }
0xa5: {  	s5 =	ssub.s32 $0x0, s20;
	[sflag:s22] =	ssyncset.done $0x0  }
0xa6: {  	[sflag:s22] =	ssyncadd.s32 s5;
	_ =	sdelay $0x1  }
0xa7: {  	s23 =	simm.s32 $0x1B8B  }
0xa8: {  	_ =	swait.ge [sflag:s23], $0x1  }
0xa9: {  	[sflag:s23] =	ssyncset.done $0x0  }
0xaa: {  	s25 =	simm.s32 $0x1B8E;
	s24 =	sld [smem:$0x3FFE];
	[sflag:s23] =	ssyncadd.s32 $0xFFFFFFFF  }
0xab: {  	s26 =	simm.s32 $execute0_lowered;
	[smem:$0x3FD2] =	sst s25  }
0xac: {  	s6 =	sshll.u32 s26, $0x1;
	_ =	strace $0x80000046;
	[dreg:$0x1] =	wrdreg $0xFFFFFFFF  }
0xad: {  	s28 =	simm.s32 $_size_execute0_lowered;
	s4 =	sadd.s32 s4, s6;
	[dreg:$0x0] =	wrdreg $0x0  }
0xae: {  	s6 =	sshll.u32 s28, $0x1;
	[dreg:$0x2] =	wrdreg s4  }
0xaf: {  	[dreg:$0x3] =	wrdreg s6  }
0xb0: {  	[dreg:$0x4] =	wrdreg $0xC0  }
0xb1: {  	_ =	task [dreg:s8], $0x5FFFF  }
0xb2: {  	[dreg:$0x1] =	wrdreg $0xFFFFFFFF  }
0xb3: {  	[dreg:$0x0] =	wrdreg $0x60  }
0xb4: {  	[dreg:$0x2] =	wrdreg s24  }
0xb5: {  	[dreg:$0x3] =	wrdreg s17  }
0xb6: {  	[dreg:$0x4] =	wrdreg s16  }
0xb7: {  	[dreg:$0x5] =	wrdreg $0x4F000  }
0xb8: {  	[dreg:$0x6] =	wrdreg $0x9  }
0xb9: {  	_ =	task.clear_ibuf [dreg:s8], $0x7FFFF;
	_ =	strace $0x90000046  }
0xba: {  	s29 =	simm.s32 $0x9;
	_ =	strace $0x80000048  }
0xbb: {  	_ =	swait.ge [sflag:s29], $0x1  }
0xbc: {  	[sflag:s29] =	ssyncadd.s32 $0xFFFFFFFF  }
0xbd: {  	_ =	strace $0x90000048  }
0xbe: {  	_ =	sfence  }
0xbf: {  	s30 =	sld [smem:$0x0];
	_ =	sdelay $0x2  }
0xc0: {  	s31 =	sshll.u32 s1, $0xD;
	s1 =	sshrl.u32 s1, $0x2  }
0xc1: {  	s3 =	sand.u32 $0x4000, s31;
	s1 =	sadd.s32 s1, s30  }
0xc2: {  	s0 =	sor.u32 s3, s0;
	s1 =	sshll.u32 s1, $0x11  }
0xc3: {  	s0 =	sor.u32 s1, s0  }
0xc4: {  	s0 =	sadd.s32 $0x8F2B, s0  }
0xc5: {  	[sflag:s0] =	ssyncadd.remote.s32 $0x1  }
0xc6: {  	_ =	sfence.sel $0xFFFF  }
0xc7: {  	[dreg:$0x0] =	wrdreg $0xFFFFFFFF;
	(pc) =	sbr.abs _section_cstart, $3  }
0xc8: {  	[dreg:$0x1] =	wrdreg $0xFFFFFFFF  }
0xc9: {  	_ =	task.clear_ibuf [dreg:s8], $0x2FFFF;
	_ =	strace $0x9FFFFFFF  }
0xca: {  	(tm) =	ssettm $0x7FFFFFFF  }
0xcb: {  	_ =	shalt  }
tec
execute0_lowered:
.L_overlay_start_1:
0x0: {  	(tag) =	ssettag $0x1  }
0x1: {  	s13 =	rddreg [dreg:$0x0]  }
0x2: {  	s0 =	srdreg.scid;
	s2 =	rddreg [dreg:$0x1]  }
0x3: {  	s3 =	rddreg [dreg:$0x2];
	s12 =	sand.u32 $0x1, s0  }
0x4: {  	s4 =	rddreg [dreg:$0x3];
	s0 =	stileid.u32;
	s1 =	sshll.u32 s12, $0x4  }
0x5: {  	s5 =	simm.s32 $0x0;
	s7 =	smul.u32 $0xA00, s0;
	s6 =	sor.u32 s0, s1  }
0x6: {  	[smem:$0x7FF] =	sst s5;
	s6 =	smul.u32 $0x4E2, s6  }
0x7: {  	s8 =	sshll.u32 s0, $0x6;
	s1 =	rddreg [dreg:$0x4]  }
0x8: {  	_ =	strace $0x80000047;
	s7 =	sshrl.u32 s7, $0x2;
	s6 =	sadd.s32 s6, s13  }
0x9: {  	s9 =	sadd.s32 s7, s4;
	s7 =	sor.u32 $0x1C02, s8;
	s6 =	sadd.s32 $0xE600, s6  }
0xa: {  	[tilespmem:s5], [sflag:$0x1] =	stream.linear.gather [hbm4b:s6+s5], $0x2710, $0x38;
	[tilespmem:$0x5180] =	vst v63  }
0xb: {  	s8 =	simm.s32 $0x2780;
	s10 =	sshrl.u32 s9, $0x3;
	s9 =	simm.s32 $0x2  }
0xc: {  	[tilespmem:s8], [sflag:$0x1] =	stream.linear.gather [hbm4b:s3+s5], $0x2780, $0x38;
	[tilespmem:$0x5180] =	vst v63  }
0xd: {  	[spmem:s10], [sflag:s7] =	dma.local [hbm:s2], $0x50  }
0xe: {  	_ =	swait.ge [sflag:s9], $0x50  }
0xf: {  	[sflag:s9] =	ssyncset.done $0x0  }
0x10: {  	s11 =	simm.s32 $0x1;
	[sflag:s9] =	ssyncadd.s32 $0xFFFFFFB0  }
0x11: {  	_ =	swait.ge [sflag:s11], $0x2710  }
0x12: {  	[sflag:s11] =	ssyncset.done $0x0  }
0x13: {  	[sflag:s11] =	ssyncadd.s32 $0xFFFFD8F0  }
0x14: {  	s14 =	smul.u32 $0x500, s0;
	_ =	swait.ge [sflag:s11], $0x2780  }
0x15: {  	s15 =	sshll.u32 s12, $0x7;
	s30 =	ssub.s32 $0x2, s12;
	[sflag:s11] =	ssyncset.done $0x0  }
0x16: {  	s12 =	simm.s32 $0x2710;
	s16 =	sshrl.u32 s30, $0x1;
	[sflag:s11] =	ssyncadd.s32 $0xFFFFD880  }
0x17: {  	s14 =	sor.u32 s15, s14;
	s31 =	ssub.s32 s30, s16;
	[bflag:$0x0] =	sbarrier.arrive $0xFFFF  }
0x18: {  	[spmem:s4] =	stream.indirect.scatter.add.f32 [tilespmem:s8], [sflag:$0x2], $0x1, s5, s12, $0xb8;
	[tilespmem:$0x5180] =	vst v63  }
0x19: {  	s15 =	simm.s32 $0x10;
	s16 =	smax.u32 s31, $0x1;
	_ =	swait.ge [sflag:s9], $0x2710  }
0x1a: {  	s14 =	sshrl.u32 s14, $0x3;
	p0 =	sne.s32 s16, $0x1;
	[sflag:s9] =	ssyncset.done $0x0  }
.Ltmp0:
0x1b: {  	s13 =	sadd.s32 s14, s13;
	[sflag:s9] =	ssyncadd.s32 $0xFFFFD8F0;
	(pc) =	sbr.rel @!p0 .LBB2_2-.Ltmp0, $4  }
0x1c: {  	s14 =	simm.s32 $0x20;
	s13 =	sadd.s32 $0x18400, s13;
	[bflag:$0x0] =	sbarrier.arrive $0xFFFF  }
0x1d: {  	[hbm:s13@s14], [sflag:s7] =	dma.strided [spmem:s10@s15], $0x50, s11, $0x10   }
0x1e: {  	_ =	swait.ge [sflag:s9], $0x50  }
0x1f: {  	s16 =	sadd.s32 $0xFFFFFFFF, s16;
	[sflag:s9] =	ssyncset.done $0x0  }
.LBB2_1:
0x20: {  	p0 =	sne.s32 s16, $0x1;
	s16 =	sadd.s32 $0xFFFFFFFF, s16;
	[sflag:s9] =	ssyncadd.s32 $0xFFFFFFB0  }
0x21: {  	[tilespmem:s5], [sflag:$0x1] =	stream.linear.gather [hbm4b:s6+s5], $0x2710, $0x38;
	[tilespmem:$0x5180] =	vst v63  }
0x22: {  	_ = 	snop  }
0x23: {  	[tilespmem:s8], [sflag:$0x1] =	stream.linear.gather [hbm4b:s3+s5], $0x2780, $0x38;
	[tilespmem:$0x5180] =	vst v63  }
0x24: {  	[spmem:s10], [sflag:s7] =	dma.local [hbm:s2], $0x50  }
0x25: {  	_ =	swait.ge [sflag:s9], $0x50  }
0x26: {  	[sflag:s9] =	ssyncset.done $0x0  }
0x27: {  	[sflag:s9] =	ssyncadd.s32 $0xFFFFFFB0  }
0x28: {  	_ =	swait.ge [sflag:s11], $0x2710  }
0x29: {  	[sflag:s11] =	ssyncset.done $0x0  }
0x2a: {  	[sflag:s11] =	ssyncadd.s32 $0xFFFFD8F0  }
0x2b: {  	_ =	swait.ge [sflag:s11], $0x2780  }
0x2c: {  	[sflag:s11] =	ssyncset.done $0x0  }
0x2d: {  	[sflag:s11] =	ssyncadd.s32 $0xFFFFD880  }
0x2e: {  	[bflag:$0x0] =	sbarrier.arrive $0xFFFF  }
0x2f: {  	[spmem:s4] =	stream.indirect.scatter.add.f32 [tilespmem:s8], [sflag:$0x2], $0x1, s5, s12, $0xb8;
	[tilespmem:$0x5180] =	vst v63  }
0x30: {  	_ =	swait.ge [sflag:s9], $0x2710  }
0x31: {  	[sflag:s9] =	ssyncset.done $0x0  }
.Ltmp1:
0x32: {  	[sflag:s9] =	ssyncadd.s32 $0xFFFFD8F0;
	(pc) =	sbr.rel @p0 .LBB2_1-.Ltmp1, $4  }
0x33: {  	[bflag:$0x0] =	sbarrier.arrive $0xFFFF  }
0x34: {  	[hbm:s13@s14], [sflag:s7] =	dma.strided [spmem:s10@s15], $0x50, s11, $0x10   }
0x35: {  	_ =	swait.ge [sflag:s9], $0x50  }
0x36: {  	[sflag:s9] =	ssyncset.done $0x0  }
.LBB2_2:
0x37: {  	[sflag:s9] =	ssyncadd.s32 $0xFFFFFFB0  }
0x38: {  	_ =	sfence.sel $0x180000  }
0x39: {  	[bflag:$0x0] =	sbarrier.arrive $0xFFFF  }
0x3a: {  	p0 =	sne.s32 s0, $0x0;
	_ =	strace $0x90000047  }
0x3b: {  	s0 =	sadd.s32 @!p0 $0x100000, s1;
	[bflag:$0x2] =	sbarrier.arrive $0xFFFF  }
0x3c: {  	[sflag:s0] =	ssyncadd.tile.s32 @!p0 $0x1;
	_ =	shalt  }
.Lfunc_end2:
_tile_overlayer_lowered:
.L_overlay_start_2:
0x3d: {  	(tag) =	ssettag $0x2  }
0x3e: {  	s0 =	rddreg [dreg:$0x0];
	s2 =	stileid.u32  }
0x3f: {  	s1 =	rddreg [dreg:$0x1];
	p0 =	sne.s32 s2, $0x0  }
0x40: {  	s3 =	rddreg [dreg:$0x2];
	[bflag:$0x3] =	sbarrier.arrive $0xFFFF;
	s2 =	simm.s32 @!p0 $0x1C02  }
0x41: {  	[timem:s3], [sflag:s2] =	dma.local @!p0 [hbm:s0], s1  }
0x42: {  	s0 =	simm.s32 @!p0 $0x2  }
0x43: {  	_ =	swait.ge @!p0 [sflag:s0], s1  }
0x44: {  	s1 =	ssub.s32 @!p0 $0x0, s1;
	[sflag:s0] =	ssyncset.done @!p0 $0x0  }
0x45: {  	[sflag:s0] =	ssyncadd.s32 @!p0 s1  }
0x46: {  	[bflag:$0x3] =	sbarrier.arrive $0xFFFF  }
0x47: {  	_ =	shalt  }

// kernel: kernel.9.cloned.1.call-start
scs
__scs_entry_jumppad:
0x0: {  	(pc) =	sbr.rel $0x88, $3  }
0x1: {  	(tag) =	ssettag $0x0;
	lr =	simm.s32 $0x1  }
0x2: {  	[smem:$0x3F7A] =	sst lr;
	_ =	strace $0xD0000000  }
0x3: {  	_ = 	snop  }
0x4: {  	_ = 	snop  }
0x5: {  	_ = 	snop  }
0x6: {  	_ = 	snop  }
0x7: {  	_ = 	snop  }
__scs_overlays_trampoline_lowered:
0x8: {  	[smem:$0x3F89] =	sst s0  }
0x9: {  	[smem:$0x3F8A] =	sst s1  }
0xa: {  	[smem:$0x3F8B] =	sst s2  }
0xb: {  	[smem:$0x3F8C] =	sst s3  }
0xc: {  	[smem:$0x3F8D] =	sst s4  }
0xd: {  	[smem:$0x3F8E] =	sst s5  }
0xe: {  	[smem:$0x3F8F] =	sst s6  }
0xf: {  	[smem:$0x3F90] =	sst s7  }
0x10: {  	[smem:$0x3F91] =	sst s8  }
0x11: {  	[smem:$0x3F92] =	sst s9;
	s0 =	simm.s32 @!p0 $0x0  }
0x12: {  	s1 =	sld [smem:$0x3F78];
	s0 =	simm.s32 @p0 $0x1  }
0x13: {  	[smem:$0x3F93] =	sst s0;
	s0 =	simm.s32 @!p1 $0x0  }
0x14: {  	s2 =	sld [smem:$0x3F77];
	s0 =	simm.s32 @p1 $0x1  }
0x15: {  	[smem:$0x3F94] =	sst s0;
	s0 =	simm.s32 @!p2 $0x0  }
0x16: {  	s3 =	sld [smem:$0x3FDB];
	s0 =	simm.s32 @p2 $0x1  }
0x17: {  	s4 =	simm.s32 $0x1BF5;
	[smem:$0x3F96] =	sst s0  }
0x18: {  	s0 =	sld [smem:$0x3F79];
	_ =	swait.ge [sflag:s4], $0x0  }
0x19: {  	s7 =	sld [smem:$0x3F7A]  }
0x1a: {  	s8 =	sadd.s32 $0xFFFFE003, lr  }
0x1b: {  	s9 =	sadd.s32 $0xFFFFFEF7, lr;
	s5 =	simm.s32 $0xFFFFFFFF;
	p2 =	slt.u32 s8, $0xFFFFF086  }
0x1c: {  	p1 =	slt.u32 s9, $0xF7A;
	s5 =	simm.s32 @!p2 $0x0  }
0x1d: {  	s5 =	simm.s32 @p1 $0x1;
	p0 =	seq.s32 s7, s2  }
0x1e: {  	s7 =	smul.u32 @!p0 $0xF7A, s2;
	p2 =	seq.s32 @!p0 s5, $0x0  }
0x1f: {  	s9 =	smul.u32 $0xF7A, s1;
	s8 =	simm.s32 @!p0 $0x1BF5;
	p2 =	por !p2, p0  }
0x20: {  	[sflag:s8] =	ssyncset.s32 @!p0 $0xFFFFF086;
	s6 =	sadd.s32 @!p0 s3, s7;
	s7 =	simm.s32 @!p0 $0x108  }
0x21: {  	s3 =	sadd.s32 s3, s9;
	s6 =	sadd.s32 @!p0 $0x88, s6;
	s7 =	simm.s32 @p2 $0x1082  }
0x22: {  	[simem:s7], [sflag:s8] =	dma.local @!p0 [hbm:s6], $0xF7A  }
0x23: {  	s9 =	sor.u32 $0xD0000000, s2;
	s6 =	simm.s32 $0x108;
	_ =	swait.ge @!p0 [sflag:s8], $0x0  }
0x24: {  	s3 =	sadd.s32 $0x88, s3;
	s6 =	simm.s32 @!p1 $0x1082;
	[sflag:s4] =	ssyncset.s32 $0xFFFFF086  }
0x25: {  	[simem:s6], [sflag:s4] =	dma.local [hbm:s3], $0xF7A  }
0x26: {  	[smem:$0x3F7A] =	sst s1;
	(tag) =	ssettag s2;
	_ =	strace s9  }
0x27: {  	s1 =	sld [smem:$0x3F8A]  }
0x28: {  	s2 =	sld [smem:$0x3F8B]  }
0x29: {  	s4 =	sld [smem:$0x3F8D]  }
0x2a: {  	p0 =	seq.s32 s5, $0x0;
	s5 =	sld [smem:$0x3F8E]  }
0x2b: {  	s6 =	sld [smem:$0x3F8F]  }
0x2c: {  	s7 =	sld [smem:$0x3F90]  }
0x2d: {  	s3 =	simm.s32 $0x108;
	s8 =	sld [smem:$0x3F91]  }
0x2e: {  	s3 =	simm.s32 @!p0 $0x1082;
	s9 =	sld [smem:$0x3F92]  }
0x2f: {  	lr =	sadd.s32 s0, s3;
	s0 =	sld [smem:$0x3F89]  }
0x30: {  	s3 =	sld [smem:$0x3F8C]  }
0x31: {  	[smem:$0x3F95] =	sst s10  }
0x32: {  	s10 =	sld [smem:$0x3F93];
	_ =	sdelay $0x3  }
0x33: {  	p0 =	seq.s32 s10, $0x1;
	s10 =	sld [smem:$0x3F95];
	_ =	sdelay $0x3  }
0x34: {  	[smem:$0x3F95] =	sst s10  }
0x35: {  	s10 =	sld [smem:$0x3F94];
	_ =	sdelay $0x3  }
0x36: {  	p1 =	seq.s32 s10, $0x1;
	s10 =	sld [smem:$0x3F95];
	_ =	sdelay $0x3  }
0x37: {  	[smem:$0x3F95] =	sst s10  }
0x38: {  	s10 =	sld [smem:$0x3F96]  }
0x39: {  	_ = 	snop;
	(pc) =	sbr.ind lr, $3  }
0x3a: {  	_ = 	snop  }
0x3b: {  	_ = 	snop  }
0x3c: {  	p2 =	seq.s32 s10, $0x1;
	s10 =	sld [smem:$0x3F95]  }
0x3d: {  	_ =	shalt  }
0x3e: {  	_ =	shalt  }
0x3f: {  	_ =	shalt  }
0x40: {  	_ =	shalt  }
0x41: {  	_ =	shalt  }
0x42: {  	_ =	shalt  }
0x43: {  	_ =	shalt  }
0x44: {  	_ =	shalt  }
0x45: {  	_ =	shalt  }
0x46: {  	_ =	shalt  }
0x47: {  	_ =	shalt  }
0x48: {  	_ =	shalt  }
0x49: {  	_ =	shalt  }
0x4a: {  	_ =	shalt  }
0x4b: {  	_ =	shalt  }
0x4c: {  	_ =	shalt  }
0x4d: {  	_ =	shalt  }
0x4e: {  	_ =	shalt  }
0x4f: {  	_ =	shalt  }
0x50: {  	_ =	shalt  }
0x51: {  	_ =	shalt  }
0x52: {  	_ =	shalt  }
0x53: {  	_ =	shalt  }
0x54: {  	_ =	shalt  }
0x55: {  	_ =	shalt  }
0x56: {  	_ =	shalt  }
0x57: {  	_ =	shalt  }
0x58: {  	_ =	shalt  }
0x59: {  	_ =	shalt  }
0x5a: {  	_ =	shalt  }
0x5b: {  	_ =	shalt  }
0x5c: {  	_ =	shalt  }
0x5d: {  	_ =	shalt  }
0x5e: {  	_ =	shalt  }
0x5f: {  	_ =	shalt  }
0x60: {  	_ =	shalt  }
0x61: {  	_ =	shalt  }
0x62: {  	_ =	shalt  }
0x63: {  	_ =	shalt  }
0x64: {  	_ =	shalt  }
0x65: {  	_ =	shalt  }
0x66: {  	_ =	shalt  }
0x67: {  	_ =	shalt  }
0x68: {  	_ =	shalt  }
0x69: {  	_ =	shalt  }
0x6a: {  	_ =	shalt  }
0x6b: {  	_ =	shalt  }
0x6c: {  	_ =	shalt  }
0x6d: {  	_ =	shalt  }
0x6e: {  	_ =	shalt  }
0x6f: {  	_ =	shalt  }
0x70: {  	_ =	shalt  }
0x71: {  	_ =	shalt  }
0x72: {  	_ =	shalt  }
0x73: {  	_ =	shalt  }
0x74: {  	_ =	shalt  }
0x75: {  	_ =	shalt  }
0x76: {  	_ =	shalt  }
0x77: {  	_ =	shalt  }
0x78: {  	_ =	shalt  }
0x79: {  	_ =	shalt  }
0x7a: {  	_ =	shalt  }
0x7b: {  	_ =	shalt  }
0x7c: {  	_ =	shalt  }
0x7d: {  	_ =	shalt  }
0x7e: {  	_ =	shalt  }
0x7f: {  	_ =	shalt  }
0x80: {  	_ =	shalt  }
0x81: {  	_ =	shalt  }
0x82: {  	_ =	shalt  }
0x83: {  	_ =	shalt  }
0x84: {  	_ =	shalt  }
0x85: {  	_ =	shalt  }
0x86: {  	_ =	shalt  }
0x87: {  	_ =	shalt  }
.Lfunc_end0:
.L_simem_size_0:
called_computation.1_lowered:
.L_overlay_start_0:
0x88: {  	s2 =	sld [smem:$0x3FD9]  }
0x89: {  	s3 =	sld [smem:$0x3FFE];
	_ =	sdelay $0x1  }
0x8a: {  	s1 =	srdreg.scid  }
0x8b: {  	s0 =	sand.u32 $0x1, s1  }
0x8c: {  	s14 =	sshll.u32 s0, $0xA;
	s2 =	sadd.s32 s3, s2  }
0x8d: {  	s2 =	sadd.s32 s2, s14  }
0x8e: {  	[smem:$0x3FA1] =	sst s2  }
0x8f: {  	_ = 	snop  }
0x90: {  	s2 =	sld [smem:$0x3FD0];
	_ =	sdelay $0x2  }
0x91: {  	s15 =	simm.s32 $0xA;
	s4 =	simm.s32 $0x10  }
0x92: {  	[smem:s4], [sflag:s15] =	dma.local [hbm:s2], $0x1  }
0x93: {  	_ =	swait.eq [sflag:s15], $0x1  }
0x94: {  	[sflag:s15] =	ssyncset.done $0x0  }
0x95: {  	[sflag:s15] =	ssyncadd.s32 $0xFFFFFFFF  }
0x96: {  	s16 =	sld [smem:$0x11];
	(tm) =	ssettm $0x1  }
0x97: {  	s17 =	sld [smem:$0x3FFB];
	_ =	sdelay $0x3  }
0x98: {  	_ =	strace s17  }
0x99: {  	s3 =	sld [smem:$0x3FFC];
	_ =	sdelay $0x3  }
0x9a: {  	_ =	strace s3  }
0x9b: {  	s3 =	sld [smem:$0x3FFD];
	_ =	sdelay $0x3  }
0x9c: {  	_ =	strace s3  }
0x9d: {  	_ =	strace $0x8FFFFFFF  }
0x9e: {  	s18 =	sld [smem:$0x3FDB];
	_ =	sdelay $0x1  }
0x9f: {  	s19 =	simm.s32 $_scs_section_size  }
0xa0: {  	s5 =	simm.s32 $_size__tile_overlayer_lowered;
	s6 =	simm.s32 $_tile_overlayer_lowered  }
0xa1: {  	s22 =	simm.s32 $0x1BFF;
	s21 =	sshll.u32 s6, $0x1;
	s3 =	sadd.s32 s19, s18  }
0xa2: {  	s7 =	simm.s32 $0x0;
	s20 =	sshll.u32 s5, $0x1;
	s5 =	sadd.s32 s21, s3  }
0xa3: {  	[timem:s7], [sflag:s22] =	dma.local [hbm:s5], s20  }
0xa4: {  	_ =	swait.ge [sflag:s22], s20  }
0xa5: {  	s4 =	ssub.s32 $0x0, s20;
	[sflag:s22] =	ssyncset.done $0x0  }
0xa6: {  	[sflag:s22] =	ssyncadd.s32 s4;
	_ =	sdelay $0x1  }
0xa7: {  	s23 =	simm.s32 $0x1B8B  }
0xa8: {  	_ =	swait.ge [sflag:s23], $0x1  }
0xa9: {  	[sflag:s23] =	ssyncset.done $0x0  }
0xaa: {  	s25 =	simm.s32 $0x1B8E;
	s24 =	sld [smem:$0x3FFE];
	[sflag:s23] =	ssyncadd.s32 $0xFFFFFFFF  }
0xab: {  	s26 =	simm.s32 $execute0_lowered;
	[smem:$0x3FD2] =	sst s25  }
0xac: {  	s5 =	sshll.u32 s26, $0x1;
	_ =	strace $0x80000049;
	[dreg:$0x1] =	wrdreg $0xFFFFFFFF  }
0xad: {  	s28 =	simm.s32 $_size_execute0_lowered;
	s3 =	sadd.s32 s3, s5;
	[dreg:$0x0] =	wrdreg $0x0  }
0xae: {  	s5 =	sshll.u32 s28, $0x1;
	[dreg:$0x2] =	wrdreg s3  }
0xaf: {  	[dreg:$0x3] =	wrdreg s5  }
0xb0: {  	[dreg:$0x4] =	wrdreg $0xC0  }
0xb1: {  	_ =	task [dreg:s7], $0x5FFFF  }
0xb2: {  	[dreg:$0x1] =	wrdreg $0xFFFFFFFF  }
0xb3: {  	[dreg:$0x0] =	wrdreg $0x60  }
0xb4: {  	[dreg:$0x2] =	wrdreg s24  }
0xb5: {  	[dreg:$0x3] =	wrdreg s16  }
0xb6: {  	[dreg:$0x4] =	wrdreg $0x186A00  }
0xb7: {  	[dreg:$0x5] =	wrdreg $0x9  }
0xb8: {  	_ =	task.clear_ibuf [dreg:s7], $0x6FFFF;
	_ =	strace $0x90000049  }
0xb9: {  	s29 =	simm.s32 $0x9;
	_ =	strace $0x8000004B  }
0xba: {  	_ =	swait.ge [sflag:s29], $0x1  }
0xbb: {  	[sflag:s29] =	ssyncadd.s32 $0xFFFFFFFF  }
0xbc: {  	_ =	strace $0x9000004B  }
0xbd: {  	_ =	sfence  }
0xbe: {  	s30 =	sld [smem:$0x0];
	_ =	sdelay $0x2  }
0xbf: {  	s31 =	sshll.u32 s1, $0xD;
	s1 =	sshrl.u32 s1, $0x2  }
0xc0: {  	s3 =	sand.u32 $0x4000, s31;
	s1 =	sadd.s32 s1, s30  }
0xc1: {  	s0 =	sor.u32 s3, s0;
	s1 =	sshll.u32 s1, $0x11  }
0xc2: {  	s0 =	sor.u32 s1, s0  }
0xc3: {  	s0 =	sadd.s32 $0x8F2B, s0  }
0xc4: {  	[sflag:s0] =	ssyncadd.remote.s32 $0x1  }
0xc5: {  	_ =	sfence.sel $0xFFFF  }
0xc6: {  	[dreg:$0x0] =	wrdreg $0xFFFFFFFF;
	(pc) =	sbr.abs _section_cstart, $3  }
0xc7: {  	[dreg:$0x1] =	wrdreg $0xFFFFFFFF  }
0xc8: {  	_ =	task.clear_ibuf [dreg:s7], $0x2FFFF;
	_ =	strace $0x9FFFFFFF  }
0xc9: {  	(tm) =	ssettm $0x7FFFFFFF  }
tec
execute0_lowered:
.L_overlay_start_1:
0x0: {  	(tag) =	ssettag $0x1  }
0x1: {  	s0 =	srdreg.scid  }
0x2: {  	s15 =	rddreg [dreg:$0x0];
	s14 =	sand.u32 $0x1, s0  }
0x3: {  	s2 =	rddreg [dreg:$0x1];
	s0 =	stileid.u32;
	s1 =	sshll.u32 s14, $0x4  }
0x4: {  	s3 =	rddreg [dreg:$0x2];
	s1 =	sor.u32 s0, s1  }
0x5: {  	s4 =	simm.s32 $0x0;
	s8 =	simm.s32 $0x2710;
	s5 =	smul.u32 $0x4E2, s1  }
0x6: {  	[smem:$0x7FF] =	sst s4;
	s16 =	smul.u32 $0x1388, s0;
	s7 =	sshll.u32 s0, $0x6  }
0x7: {  	s7 =	sor.u32 $0x1C02, s7;
	s1 =	rddreg [dreg:$0x3];
	s6 =	sadd.s32 s5, s15  }
0x8: {  	_ =	strace $0x8000004A;
	s9 =	sadd.s32 s16, s3;
	s5 =	sadd.s32 $0xE600, s6  }
0x9: {  	[tilespmem:s4], [sflag:$0x1] =	stream.linear.gather [hbm4b:s5+s4], $0x2710, $0x38;
	[tilespmem:$0x19A28] =	vst v63  }
0xa: {  	s10 =	sshrl.u32 s9, $0x3;
	s9 =	simm.s32 $0x2;
	s6 =	sadd.s32 $0x4800, s6  }
0xb: {  	[tilespmem:s8], [sflag:$0x1] =	stream.linear.gather [hbm4b:s6+s4], $0x2710, $0x38;
	[tilespmem:$0x19A28] =	vst v63  }
0xc: {  	[spmem:s10], [sflag:s7] =	dma.local [hbm:s2], $0x271  }
0xd: {  	_ =	swait.ge [sflag:s9], $0x271  }
0xe: {  	[sflag:s9] =	ssyncset.done $0x0  }
0xf: {  	s11 =	simm.s32 $0x1;
	[sflag:s9] =	ssyncadd.s32 $0xFFFFFD8F  }
0x10: {  	_ =	swait.ge [sflag:s11], $0x2710  }
0x11: {  	[sflag:s11] =	ssyncset.done $0x0  }
0x12: {  	[sflag:s11] =	ssyncadd.s32 $0xFFFFD8F0  }
0x13: {  	_ =	swait.ge [sflag:s11], $0x2710  }
0x14: {  	[sflag:s11] =	ssyncset.done $0x0  }
0x15: {  	s13 =	simm.s32 $0x4E20;
	s12 =	sadd.s32 $0x18400, s15;
	[sflag:s11] =	ssyncadd.s32 $0xFFFFD8F0  }
0x16: {  	[tilespmem:s13], [sflag:$0x1] =	stream.indirect.gather [hbm4b:s12+s8], $0x8, s4, s8, $0xb8;
	[tilespmem:$0x19A28] =	vst v63  }
0x17: {  	_ =	swait.ge [sflag:s11], $0x13880  }
0x18: {  	s17 =	smul.u32 $0x13880, s14;
	s14 =	ssub.s32 $0x2, s14;
	[sflag:s11] =	ssyncset.done $0x0  }
0x19: {  	s29 =	sshrl.u32 s14, $0x1;
	[sflag:s11] =	ssyncadd.s32 $0xFFFEC780  }
0x1a: {  	s30 =	ssub.s32 s14, s29;
	[bflag:$0x0] =	sbarrier.arrive $0xFFFF  }
0x1b: {  	[spmem:s3] =	stream.indirect.scatter.add.f32 [tilespmem:s13], [sflag:$0x2], $0x8, s8, s8, $0xb8;
	[tilespmem:$0x19A28] =	vst v63  }
0x1c: {  	s16 =	sadd.s32 s16, s17;
	s31 =	smax.u32 s30, $0x1;
	_ =	swait.ge [sflag:s9], $0x13880  }
0x1d: {  	s16 =	sshrl.u32 s16, $0x3;
	p0 =	sne.s32 s31, $0x1;
	[sflag:s9] =	ssyncset.done $0x0  }
.Ltmp0:
0x1e: {  	s15 =	sadd.s32 s16, s15;
	[sflag:s9] =	ssyncadd.s32 $0xFFFEC780;
	(pc) =	sbr.rel @!p0 .LBB2_2-.Ltmp0, $4  }
0x1f: {  	s14 =	sadd.s32 $0x1AC00, s15;
	[bflag:$0x0] =	sbarrier.arrive $0xFFFF  }
0x20: {  	[hbm:s14], [sflag:s7] =	dma.local [spmem:s10], $0x271  }
0x21: {  	_ =	swait.ge [sflag:s9], $0x271  }
0x22: {  	s15 =	sadd.s32 $0xFFFFFFFF, s31;
	[sflag:s9] =	ssyncset.done $0x0  }
.LBB2_1:
0x23: {  	p0 =	sne.s32 s15, $0x1;
	s15 =	sadd.s32 $0xFFFFFFFF, s15;
	[sflag:s9] =	ssyncadd.s32 $0xFFFFFD8F  }
0x24: {  	[tilespmem:s4], [sflag:$0x1] =	stream.linear.gather [hbm4b:s5+s4], $0x2710, $0x38;
	[tilespmem:$0x19A28] =	vst v63  }
0x25: {  	_ = 	snop  }
0x26: {  	[tilespmem:s8], [sflag:$0x1] =	stream.linear.gather [hbm4b:s6+s4], $0x2710, $0x38;
	[tilespmem:$0x19A28] =	vst v63  }
0x27: {  	[spmem:s10], [sflag:s7] =	dma.local [hbm:s2], $0x271  }
0x28: {  	_ =	swait.ge [sflag:s9], $0x271  }
0x29: {  	[sflag:s9] =	ssyncset.done $0x0  }
0x2a: {  	[sflag:s9] =	ssyncadd.s32 $0xFFFFFD8F  }
0x2b: {  	_ =	swait.ge [sflag:s11], $0x2710  }
0x2c: {  	[sflag:s11] =	ssyncset.done $0x0  }
0x2d: {  	[sflag:s11] =	ssyncadd.s32 $0xFFFFD8F0  }
0x2e: {  	_ =	swait.ge [sflag:s11], $0x2710  }
0x2f: {  	[sflag:s11] =	ssyncset.done $0x0  }
0x30: {  	[sflag:s11] =	ssyncadd.s32 $0xFFFFD8F0  }
0x31: {  	[tilespmem:s13], [sflag:$0x1] =	stream.indirect.gather [hbm4b:s12+s8], $0x8, s4, s8, $0xb8;
	[tilespmem:$0x19A28] =	vst v63  }
0x32: {  	_ =	swait.ge [sflag:s11], $0x13880  }
0x33: {  	[sflag:s11] =	ssyncset.done $0x0  }
0x34: {  	[sflag:s11] =	ssyncadd.s32 $0xFFFEC780  }
0x35: {  	[bflag:$0x0] =	sbarrier.arrive $0xFFFF  }
0x36: {  	[spmem:s3] =	stream.indirect.scatter.add.f32 [tilespmem:s13], [sflag:$0x2], $0x8, s8, s8, $0xb8;
	[tilespmem:$0x19A28] =	vst v63  }
0x37: {  	_ =	swait.ge [sflag:s9], $0x13880  }
0x38: {  	[sflag:s9] =	ssyncset.done $0x0  }
.Ltmp1:
0x39: {  	[sflag:s9] =	ssyncadd.s32 $0xFFFEC780;
	(pc) =	sbr.rel @p0 .LBB2_1-.Ltmp1, $4  }
0x3a: {  	[bflag:$0x0] =	sbarrier.arrive $0xFFFF  }
0x3b: {  	[hbm:s14], [sflag:s7] =	dma.local [spmem:s10], $0x271  }
0x3c: {  	_ =	swait.ge [sflag:s9], $0x271  }
0x3d: {  	[sflag:s9] =	ssyncset.done $0x0  }
.LBB2_2:
0x3e: {  	[sflag:s9] =	ssyncadd.s32 $0xFFFFFD8F  }
0x3f: {  	_ =	sfence.sel $0x180000  }
0x40: {  	[bflag:$0x0] =	sbarrier.arrive $0xFFFF  }
0x41: {  	p0 =	sne.s32 s0, $0x0;
	_ =	strace $0x9000004A  }
0x42: {  	s0 =	sadd.s32 @!p0 $0x100000, s1;
	[bflag:$0x2] =	sbarrier.arrive $0xFFFF  }
0x43: {  	[sflag:s0] =	ssyncadd.tile.s32 @!p0 $0x1;
	_ =	shalt  }
.Lfunc_end2:
_tile_overlayer_lowered:
.L_overlay_start_2:
0x44: {  	(tag) =	ssettag $0x2  }
0x45: {  	s0 =	rddreg [dreg:$0x0];
	s2 =	stileid.u32  }
0x46: {  	s1 =	rddreg [dreg:$0x1];
	p0 =	sne.s32 s2, $0x0  }
0x47: {  	s3 =	rddreg [dreg:$0x2];
	[bflag:$0x3] =	sbarrier.arrive $0xFFFF;
	s2 =	simm.s32 @!p0 $0x1C02  }
0x48: {  	[timem:s3], [sflag:s2] =	dma.local @!p0 [hbm:s0], s1  }
0x49: {  	s0 =	simm.s32 @!p0 $0x2  }
0x4a: {  	_ =	swait.ge @!p0 [sflag:s0], s1  }
0x4b: {  	s1 =	ssub.s32 @!p0 $0x0, s1;
	[sflag:s0] =	ssyncset.done @!p0 $0x0  }
0x4c: {  	[sflag:s0] =	ssyncadd.s32 @!p0 s1  }
0x4d: {  	[bflag:$0x3] =	sbarrier.arrive $0xFFFF  }
0x4e: {  	_ =	shalt  }

</sc_bundles>
